<compile_context>
chip_gen: v7x
topology: tpu7x:2x2x1
jax: 0.10.2.dev20260603
libtpu: 0.0.44.dev20260713+nightly
codegen_flags: <defaults>
</compile_context>

<pallas_src>
import functools

import jax
import jax.numpy as jnp
from jax import lax
from jax.experimental import pallas as pl
from jax.experimental.pallas import tpu as pltpu
from jax.experimental.pallas import tpu_sc as plsc

B = 16
H = 512
W = 512
HW = H * W
N_RAYS = 16384
N_INSIDE = 12288
N_PTS = 64
MIN_DEPTH = 0.1
MAX_DEPTH = 10.0

NW = 32
HALF_PIX = HW // 2
N_CHUNK = 16
CHUNK = HALF_PIX // N_CHUNK
N_CHUNKS_IMG = 32
HALF_RAYS = N_RAYS // 2

_MESH = plsc.VectorSubcoreMesh(core_axis_name="c", subcore_axis_name="s")


def _wid():
    return lax.axis_index("s") * 2 + lax.axis_index("c")


def _splat_i32(x):
    return jnp.full((16,), x, jnp.int32)


@functools.partial(
    pl.kernel,
    out_type=(
        jax.ShapeDtypeStruct((B * HW,), jnp.int32),
        jax.ShapeDtypeStruct((B * N_CHUNKS_IMG,), jnp.int32),
        jax.ShapeDtypeStruct((B * N_CHUNKS_IMG,), jnp.int32),
    ),
    mesh=_MESH,
    compiler_params=pltpu.CompilerParams(needs_layout_passes=False),
    scratch_types=[
        pltpu.VMEM((CHUNK,), jnp.float32),
        pltpu.VMEM((CHUNK + 16,), jnp.int32),
        pltpu.VMEM((N_CHUNK,), jnp.int32),
        pltpu.VMEM((N_CHUNK,), jnp.int32),
    ],
)
def _sc_compact(masks_hbm, table_hbm, ci_hbm, co_hbm, mbuf, tbuf, cib, cob):
    wid = _wid()
    b = wid // 2
    half = wid % 2
    lane = lax.iota(jnp.int32, 16)
    lane0 = lane == 0

    def chunk_body(c, _):
        base = half * HALF_PIX + c * CHUNK
        pltpu.sync_copy(masks_hbm.at[b, pl.ds(base, CHUNK)], mbuf)

        @plsc.parallel_loop(0, CHUNK // 16, unroll=4,
                            carry=(jnp.int32(0), jnp.int32(0)))
        def vec_result(i, carry):
            n_in, n_out = carry
            v = mbuf[pl.ds(i * 16, 16)]
            cin = v > 0.5
            cout_i = ((1.0 - v) > 0.5).astype(jnp.int32)
            pos = _splat_i32(base + i * 16) + lane
            cnt_in = plsc.all_reduce_population_count(cin)[0]
            plsc.store_compressed(tbuf.at[pl.ds(n_in, 16)], pos, mask=cin)
            crev = lax.rev(cout_i, (0,)) == 1
            prev_ = lax.rev(pos, (0,))
            cnt_out = plsc.all_reduce_population_count(crev)[0]
            plsc.store_compressed(
                tbuf.at[pl.ds(CHUNK - n_out - cnt_out, 16)], prev_, mask=crev)
            return n_in + cnt_in, n_out + cnt_out

        n_in, n_out = vec_result
        plsc.store_scatter(cib, [_splat_i32(c)], _splat_i32(n_in), mask=lane0)
        plsc.store_scatter(cob, [_splat_i32(c)], _splat_i32(n_out), mask=lane0)
        pltpu.sync_copy(tbuf.at[pl.ds(0, CHUNK)],
                        table_hbm.at[pl.ds(b * HW + base, CHUNK)])
        return _

    lax.fori_loop(0, N_CHUNK, chunk_body, 0)
    pltpu.sync_copy(
        cib, ci_hbm.at[pl.ds(b * N_CHUNKS_IMG + half * N_CHUNK, N_CHUNK)])
    pltpu.sync_copy(
        cob, co_hbm.at[pl.ds(b * N_CHUNKS_IMG + half * N_CHUNK, N_CHUNK)])


@functools.partial(
    pl.kernel,
    out_type=(
        jax.ShapeDtypeStruct((B, 2 * N_RAYS), jnp.float32),
        jax.ShapeDtypeStruct((B, N_RAYS), jnp.float32),
        jax.ShapeDtypeStruct((B, N_RAYS), jnp.float32),
    ),
    mesh=_MESH,
    compiler_params=pltpu.CompilerParams(needs_layout_passes=False),
    scratch_types=[
        pltpu.VMEM((2 * N_CHUNKS_IMG,), jnp.int32),
        pltpu.VMEM((2 * N_CHUNKS_IMG,), jnp.int32),
        pltpu.VMEM((HALF_RAYS,), jnp.int32),
        pltpu.VMEM((HALF_RAYS,), jnp.int32),
        pltpu.VMEM((HALF_RAYS,), jnp.int32),
        pltpu.VMEM((HALF_RAYS,), jnp.float32),
        pltpu.VMEM((HALF_RAYS,), jnp.float32),
        pltpu.VMEM((HALF_RAYS,), jnp.float32),
        pltpu.VMEM((HALF_RAYS,), jnp.float32),
        pltpu.VMEM((2 * HALF_RAYS,), jnp.float32),
        pltpu.SemaphoreType.DMA,
    ],
)
def _sc_gather(table_hbm, ci_hbm, co_hbm, idx_hbm, jr_hbm, jc_hbm,
               xy_hbm, xs_hbm, ys_hbm,
               cnt, pref, sbuf, tposb, pbuf, jrb, jcb, xb, yb, xyb, sem):
    wid = _wid()
    b = wid // 2
    half = wid % 2
    lane = lax.iota(jnp.int32, 16)
    sbase = half * HALF_RAYS

    pltpu.sync_copy(ci_hbm.at[pl.ds(b * N_CHUNKS_IMG, N_CHUNKS_IMG)],
                    cnt.at[pl.ds(0, N_CHUNKS_IMG)])
    pltpu.sync_copy(co_hbm.at[pl.ds(b * N_CHUNKS_IMG, N_CHUNKS_IMG)],
                    cnt.at[pl.ds(N_CHUNKS_IMG, N_CHUNKS_IMG)])
    pltpu.sync_copy(idx_hbm.at[b, pl.ds(sbase, HALF_RAYS)], sbuf)
    pltpu.sync_copy(jr_hbm.at[b, pl.ds(sbase, HALF_RAYS)], jrb)
    pltpu.sync_copy(jc_hbm.at[b, pl.ds(sbase, HALF_RAYS)], jcb)

    off = jnp.int32(0)
    for s in range(4):
        g = cnt[pl.ds(s * 16, 16)]
        inc = plsc.cumsum(g)
        if s == 2:
            off = jnp.int32(0)
        pref[pl.ds(s * 16, 16)] = inc - g + off
        off = off + jnp.sum(g)

    @plsc.parallel_loop(0, HALF_RAYS // 16, unroll=4, carry=jnp.int32(0))
    def search_result(g, _):
        gbase = sbase + g * 16
        is_in = gbase < N_INSIDE
        base = jnp.where(is_in, 0, N_CHUNKS_IMG)
        base_v = _splat_i32(base)
        idx_v = sbuf[pl.ds(g * 16, 16)]
        lo = base_v
        for step in (16, 8, 4, 2, 1):
            mid = lo + step
            cand = plsc.load_gather(pref, [mid])
            lo = jnp.where(cand <= idx_v, mid, lo)
        start = plsc.load_gather(pref, [lo])
        local = idx_v - start
        chunk = lo - base_v
        slot = jnp.where(
            jnp.full((16,), is_in), local, _splat_i32(CHUNK - 1) - local)
        tposb[pl.ds(g * 16, 16)] = _splat_i32(b * HW) + chunk * CHUNK + slot
        return _

    del search_result
    pltpu.async_copy(table_hbm.at[tposb], pbuf, sem).wait()

    @plsc.parallel_loop(0, HALF_RAYS // 16, unroll=4, carry=jnp.int32(0))
    def ndc_result(g, _):
        p = pbuf[pl.ds(g * 16, 16)]
        row = lax.shift_right_logical(p, 9).astype(jnp.float32)
        col = (p & (W - 1)).astype(jnp.float32)
        x = (col + jcb[pl.ds(g * 16, 16)]) * (2.0 / W) - 1.0
        y = (row + jrb[pl.ds(g * 16, 16)]) * (2.0 / H) - 1.0
        xb[pl.ds(g * 16, 16)] = x
        yb[pl.ds(g * 16, 16)] = y
        ii = _splat_i32(g * 16) + lane
        plsc.store_scatter(xyb, [ii * 2], x)
        plsc.store_scatter(xyb, [ii * 2 + 1], y)
        return _

    del ndc_result
    pltpu.sync_copy(xyb, xy_hbm.at[b, pl.ds(half * 2 * HALF_RAYS,
                                            2 * HALF_RAYS)])
    pltpu.sync_copy(xb, xs_hbm.at[b, pl.ds(sbase, HALF_RAYS)])
    pltpu.sync_copy(yb, ys_hbm.at[b, pl.ds(sbase, HALF_RAYS)])


BLK = 2048


def _tc_unproject_body(xs_ref, ys_ref, R_ref, T_ref, f_ref, pp_ref, d_ref,
                       o_ref, dir_ref, len_ref):
    x = xs_ref[0]
    y = ys_ref[0]
    f0 = f_ref[0, 0, 0]
    f1 = f_ref[0, 0, 1]
    p0 = pp_ref[0, 0, 0]
    p1 = pp_ref[0, 0, 1]
    cam0 = (-x - p0) / f0
    cam1 = (-y - p1) / f1
    d = []
    for k in range(3):
        rk0 = R_ref[0, k, 0]
        rk1 = R_ref[0, k, 1]
        rk2 = R_ref[0, k, 2]
        d.append(cam0 * rk0 + cam1 * rk1 + rk2)
    norm = jnp.sqrt(d[0] * d[0] + d[1] * d[1] + d[2] * d[2])
    len_ref[0] = jnp.transpose(norm) * d_ref[...]
    dir_ref[0] = jnp.concatenate(d, axis=0)
    o = []
    for k in range(3):
        ok = -(T_ref[0, 0, 0] * R_ref[0, k, 0] + T_ref[0, 0, 1] * R_ref[0, k, 1]
               + T_ref[0, 0, 2] * R_ref[0, k, 2])
        o.append(jnp.full((1, 1, 1), ok, jnp.float32))
    o_ref[...] = jnp.concatenate(o, axis=2)


def _tc_unproject(xs, ys, R, T, focal, pp, depths_row):
    grid = (B, N_RAYS // BLK)
    return pl.pallas_call(
        _tc_unproject_body,
        grid=grid,
        in_specs=[
            pl.BlockSpec((1, 1, BLK), lambda b, r: (b, 0, r)),
            pl.BlockSpec((1, 1, BLK), lambda b, r: (b, 0, r)),
            pl.BlockSpec((1, 3, 3), lambda b, r: (b, 0, 0),
                         memory_space=pltpu.SMEM),
            pl.BlockSpec((1, 1, 3), lambda b, r: (b, 0, 0),
                         memory_space=pltpu.SMEM),
            pl.BlockSpec((1, 1, 2), lambda b, r: (b, 0, 0),
                         memory_space=pltpu.SMEM),
            pl.BlockSpec((1, 1, 2), lambda b, r: (b, 0, 0),
                         memory_space=pltpu.SMEM),
            pl.BlockSpec((1, N_PTS), lambda b, r: (0, 0)),
        ],
        out_specs=[
            pl.BlockSpec((1, 1, 3), lambda b, r: (b, 0, 0)),
            pl.BlockSpec((1, 3, BLK), lambda b, r: (b, 0, r)),
            pl.BlockSpec((1, BLK, N_PTS), lambda b, r: (b, r, 0)),
        ],
        out_shape=[
            jax.ShapeDtypeStruct((B, 1, 3), jnp.float32),
            jax.ShapeDtypeStruct((B, 3, N_RAYS), jnp.float32),
            jax.ShapeDtypeStruct((B, N_RAYS, N_PTS), jnp.float32),
        ],
    )(xs.reshape(B, 1, N_RAYS), ys.reshape(B, 1, N_RAYS),
      R, T.reshape(B, 1, 3), focal.reshape(B, 1, 2), pp.reshape(B, 1, 2),
      depths_row)


def _sample_indices(nv_in, nv_out):
    key = jax.random.key(42)
    keys = jax.random.split(key, 2 * B)

    def draw(n):
        def one(k, nv):
            k1, k2 = jax.random.split(k)
            return (jax.random.randint(k1, (n,), 0, nv),
                    jax.random.uniform(k2, (n, 2), dtype=jnp.float32))
        return one

    idx_in, u_in = jax.vmap(draw(N_INSIDE))(keys[:B], nv_in)
    idx_out, u_out = jax.vmap(draw(N_RAYS - N_INSIDE))(keys[B:], nv_out)
    idx = jnp.concatenate([idx_in, idx_out], axis=1).astype(jnp.int32)
    u = jnp.concatenate([u_in, u_out], axis=1)
    return idx, u[:, :, 0], u[:, :, 1]


def kernel(masks, R, T, focal, principal_point):
    masks_flat = masks.reshape(B, HW)
    table, ci, co = _sc_compact(masks_flat)
    nv_in = ci.reshape(B, N_CHUNKS_IMG).sum(axis=1)
    nv_out = co.reshape(B, N_CHUNKS_IMG).sum(axis=1)
    idx, jr, jc = _sample_indices(nv_in, nv_out)
    xy_flat, xs, ys = _sc_gather(table, ci, co, idx, jr, jc)
    depths_row = (MIN_DEPTH + jnp.linspace(0.0, 1.0, N_PTS, dtype=jnp.float32)
                  * (MAX_DEPTH - MIN_DEPTH)).reshape(1, N_PTS)
    o_small, dirs_t, lengths = _tc_unproject(
        xs, ys, R, T, focal, principal_point, depths_row)
    rays_xy = xy_flat.reshape(B, N_RAYS, 2)
    dirs = dirs_t.transpose(0, 2, 1)
    origins = jnp.broadcast_to(o_small, (B, N_RAYS, 3))
    return origins, dirs, lengths, rays_xy

# --- scband reference (transcript-rebuilt; emitter-appended) ---
"""Pipeline reference for scband-custom-monte-carlo-silhouette-raysampler-81844896793054 (READ-ONLY COPY).

The authoritative reference and input builder live on the scoring server;
editing this copy changes nothing except your own understanding.
"""

import jax, jax.numpy as jnp
import numpy as np

BATCH = 16
H = 512
W = 512
N_RAYS = 16384
FRAC_INSIDE = 0.75
N_PTS = 64
MIN_DEPTH = 0.1
MAX_DEPTH = 10.0


def setup_inputs(seed: int = 0) -> dict:
    key = jax.random.key(seed)
    k1, k2, k3, k4, k5 = jax.random.split(key, 5)
    masks = jax.random.uniform(k1, (BATCH, H, W), dtype=jnp.float32)
    A = jax.random.normal(k2, (BATCH, 3, 3), dtype=jnp.float32)
    R, _ = jnp.linalg.qr(A)  # proper orthonormal rotations
    T = jax.random.normal(k3, (BATCH, 3), dtype=jnp.float32)
    focal = jax.random.uniform(k4, (BATCH, 2), dtype=jnp.float32) * 0.5 + 1.0
    principal_point = jax.random.uniform(k5, (BATCH, 2), dtype=jnp.float32) * 0.2 - 0.1
    return {"masks": masks, "R": R, "T": T, "focal": focal, "principal_point": principal_point}


def _sample_xy_inside(key, mask, n):
    h, w = mask.shape
    cond = (mask > 0.5).reshape(-1)
    rows = jnp.repeat(jnp.arange(h), w)
    cols = jnp.tile(jnp.arange(w), h)
    coords = jnp.stack([rows, cols], axis=-1)  # (h*w, 2) row-major grid
    order = jnp.argsort(jnp.logical_not(cond), stable=True)
    pts = coords[order]  # (h*w, 2); first P rows match argwhere order
    num_valid = jnp.count_nonzero(cond)
    kk1, kk2 = jax.random.split(key)
    idx = jax.random.randint(kk1, (n,), 0, num_valid)
    gp = pts[idx].astype(jnp.float32)
    gp = gp + jax.random.uniform(kk2, gp.shape, dtype=jnp.float32)
    gp = 2.0 * gp / jnp.array([h, w], dtype=jnp.float32) - 1.0
    return gp[:, ::-1]  # swap (row, col) -> (x, y)


def _unproject_points(pts, R, T, focal, pp):
    # pts: (B, P, 3) = (x_ndc, y_ndc, depth); pytorch3d-style perspective unprojection
    xy = pts[..., :2]
    depth = pts[..., 2:3]
    cam_xy = (xy - pp[:, None, :]) * depth / focal[:, None, :]
    cam = jnp.concatenate([cam_xy, depth], axis=-1)
    # row-vector convention: X_cam = X_world @ R + T  =>  X_world = (X_cam - T) @ R^T
    return jnp.einsum('bpj,bkj->bpk', cam - T[:, None, :], R)


def _sample_rays_xy(masks):
    key = jax.random.key(42)
    batch = masks.shape[0]
    num_inside = int(FRAC_INSIDE * N_RAYS)
    num_outside = N_RAYS - num_inside
    keys = jax.random.split(key, 2 * batch)
    inside = jnp.stack([_sample_xy_inside(keys[i], masks[i], num_inside) for i in range(batch)], axis=0)
    outside = jnp.stack([_sample_xy_inside(keys[batch + i], 1.0 - masks[i], num_outside) for i in range(batch)], axis=0)
    return jnp.concatenate([inside, outside], axis=1)


def _xy_to_ray_bundle(rays_xy, R, T, focal, pp):
    batch = rays_xy.shape[0]
    depths = MIN_DEPTH + jnp.linspace(0.0, 1.0, N_PTS, dtype=jnp.float32) * (MAX_DEPTH - MIN_DEPTH)
    rays_zs = jnp.broadcast_to(depths[None, None, :], (batch, N_RAYS, N_PTS))
    xy_ndc = -1.0 * rays_xy
    xy2 = jnp.concatenate([xy_ndc, xy_ndc], axis=1)
    d12 = jnp.concatenate([jnp.ones((batch, N_RAYS, 1), dtype=jnp.float32),
                           2.0 * jnp.ones((batch, N_RAYS, 1), dtype=jnp.float32)], axis=1)
    to_unproject = jnp.concatenate([xy2, d12], axis=-1)
    unprojected = _unproject_points(to_unproject, R, T, focal, pp)
    plane1 = unprojected[:, :N_RAYS]
    plane2 = unprojected[:, N_RAYS:]
    dirs = plane2 - plane1
    origins = plane1 - dirs
    lengths = rays_zs * jnp.linalg.norm(dirs, axis=-1, keepdims=True)
    return origins, dirs, lengths, rays_xy


def reference(masks, R, T, focal, principal_point):
    rays_xy = _sample_rays_xy(masks)
    return _xy_to_ray_bundle(rays_xy, R, T, focal, principal_point)

if __name__ == "__main__":
    import jax
    _d = setup_inputs()
    print(jax.jit(kernel)(*tuple(_d.values())))

</pallas_src>

<mosaic_0001>
#map = affine_map<(d0, d1) -> (0, 0)>
#map1 = affine_map<(d0, d1) -> (0)>
module attributes {stable_mosaic.version = 14 : i64} {
  func.func @_sc_compact(%arg0: i32, %arg1: i32, %arg2: memref<16x262144xf32, #tpu.memory_space<hbm>>, %arg3: memref<4194304xi32, #tpu.memory_space<hbm>>, %arg4: memref<512xi32, #tpu.memory_space<hbm>>, %arg5: memref<512xi32, #tpu.memory_space<hbm>>, %arg6: memref<8192xf32, #tpu.memory_space<vmem>>, %arg7: memref<8208xi32, #tpu.memory_space<vmem>>, %arg8: memref<16xi32, #tpu.memory_space<vmem>>, %arg9: memref<16xi32, #tpu.memory_space<vmem>>) attributes {dimension_semantics = [#tpu.dimension_semantics<core_parallel>, #tpu.dimension_semantics<subcore_parallel>], iteration_bounds = array<i64: 2, 16>, scalar_prefetch = 0 : i64, scratch_operands = 4 : i64, tpu.core_type = #tpu.core_type<sc_vector_subcore>, window_params = [{transform_indices = #map}, {transform_indices = #map1}, {transform_indices = #map1}, {transform_indices = #map1}]} {
    %mul3A = arith.constant 2 : i32
    %mul3A_0 = arith.muli %arg1, %mul3A : i32
    %add3A = arith.addi %mul3A_0, %arg0 : i32
    %jit3A = arith.constant 2 : i32
    %div3A = arith.divsi %add3A, %jit3A : i32
    %sign3A = arith.constant 0 : i32
    %sign3A_1 = arith.cmpi sgt, %add3A, %sign3A : i32
    %sign3A_2 = arith.extui %sign3A_1 : i1 to i32
    %sign3A_3 = arith.constant 0 : i32
    %sign3A_4 = arith.cmpi slt, %add3A, %sign3A_3 : i32
    %sign3A_5 = arith.extui %sign3A_4 : i1 to i32
    %sign3A_6 = arith.subi %sign3A_2, %sign3A_5 : i32
    %sign3A_7 = arith.constant 0 : i32
    %sign3A_8 = arith.cmpi sgt, %jit3A, %sign3A_7 : i32
    %sign3A_9 = arith.extui %sign3A_8 : i1 to i32
    %sign3A_10 = arith.constant 0 : i32
    %sign3A_11 = arith.cmpi slt, %jit3A, %sign3A_10 : i32
    %sign3A_12 = arith.extui %sign3A_11 : i1 to i32
    %sign3A_13 = arith.subi %sign3A_9, %sign3A_12 : i32
    %ne3A = arith.cmpi ne, %sign3A_6, %sign3A_13 : i32
    %rem3A = arith.remsi %add3A, %jit3A : i32
    %ne3A_14 = arith.constant 0 : i32
    %ne3A_15 = arith.cmpi ne, %rem3A, %ne3A_14 : i32
    %and3A = arith.andi %ne3A, %ne3A_15 : i1
    %sub3A = arith.constant 1 : i32
    %sub3A_16 = arith.subi %div3A, %sub3A : i32
    %select_n3A = arith.select %and3A, %sub3A_16, %div3A : i32
    %jit3A_17 = arith.constant 2 : i32
    %eq3A = arith.constant 0 : i32
    %eq3A_18 = arith.cmpi eq, %jit3A_17, %eq3A : i32
    %jit3A_19 = arith.constant 1 : i32
    %select_n3A_20 = arith.select %eq3A_18, %jit3A_19, %jit3A_17 : i32
    %rem3A_21 = arith.remsi %add3A, %select_n3A_20 : i32
    %ne3A_22 = arith.constant 0 : i32
    %ne3A_23 = arith.cmpi ne, %rem3A_21, %ne3A_22 : i32
    %lt3A = arith.constant 0 : i32
    %lt3A_24 = arith.cmpi slt, %rem3A_21, %lt3A : i32
    %lt3A_25 = arith.constant 0 : i32
    %lt3A_26 = arith.cmpi slt, %select_n3A_20, %lt3A_25 : i32
    %ne3A_27 = arith.xori %lt3A_24, %lt3A_26 : i1
    %and3A_28 = arith.andi %ne3A_27, %ne3A_23 : i1
    %add3A_29 = arith.addi %rem3A_21, %select_n3A_20 : i32
    %select_n3A_30 = arith.select %and3A_28, %add3A_29, %rem3A_21 : i32
    %iota3A = tpu.iota {dimensions = array<i32: 0>} : vector<16xi32>
    %eq3A_31 = arith.constant 0 : i32
    %eq3A_32 = vector.broadcast %eq3A_31 : i32 to vector<16xi32>
    %eq3A_33 = arith.cmpi eq, %iota3A, %eq3A_32 : vector<16xi32>
    %scan3A = arith.constant 0 : i32
    %scan3A_34 = arith.constant 0 : i32
    %scan3A_35 = arith.constant 16 : i32
    %scan3A_36 = arith.addi %scan3A_34, %scan3A_35 : i32
    %scan3A_37 = arith.constant 1 : i32
    scf.for %scan3A_49 = %scan3A_34 to %scan3A_36 step %scan3A_37  : i32 {
      %mul3A_50 = arith.constant 131072 : i32
      %mul3A_51 = arith.muli %select_n3A_30, %mul3A_50 : i32
      %mul3A_52 = arith.constant 8192 : i32
      %mul3A_53 = arith.muli %scan3A_49, %mul3A_52 : i32
      %add3A_54 = arith.addi %mul3A_51, %mul3A_53 : i32
      "tpu.region"() ({
        %run_scoped3A = tpu.sem_alloc : memref<!tpu.dma_semaphore, #tpu.memory_space<semaphore_mem>>
        %dma_start3A = tpu.memref_slice %arg2[%select_n3A, %add3A_54] : memref<16x262144xf32, #tpu.memory_space<hbm>> -> memref<1x8192xf32, #tpu.memory_space<hbm>>
        %dma_start3A_66 = tpu.memref_squeeze %dma_start3A : memref<1x8192xf32, #tpu.memory_space<hbm>> -> memref<8192xf32, #tpu.memory_space<hbm>>
        %dma_start3A_67 = tpu.memref_slice %arg2[%select_n3A, %add3A_54] : memref<16x262144xf32, #tpu.memory_space<hbm>> -> memref<1x8192xf32, #tpu.memory_space<hbm>>
        %dma_start3A_68 = tpu.memref_squeeze %dma_start3A_67 : memref<1x8192xf32, #tpu.memory_space<hbm>> -> memref<8192xf32, #tpu.memory_space<hbm>>
        tpu.enqueue_dma source(%dma_start3A_68 : memref<8192xf32, #tpu.memory_space<hbm>>) target(%arg6 : memref<8192xf32, #tpu.memory_space<vmem>>) target_semaphore(%run_scoped3A : memref<!tpu.dma_semaphore, #tpu.memory_space<semaphore_mem>>)
        %dma_wait3A = tpu.memref_slice %arg2[%select_n3A, %add3A_54] : memref<16x262144xf32, #tpu.memory_space<hbm>> -> memref<1x8192xf32, #tpu.memory_space<hbm>>
        %dma_wait3A_69 = tpu.memref_squeeze %dma_wait3A : memref<1x8192xf32, #tpu.memory_space<hbm>> -> memref<8192xf32, #tpu.memory_space<hbm>>
        %dma_wait3A_70 = tpu.memref_slice %arg2[%select_n3A, %add3A_54] : memref<16x262144xf32, #tpu.memory_space<hbm>> -> memref<1x8192xf32, #tpu.memory_space<hbm>>
        %dma_wait3A_71 = tpu.memref_squeeze %dma_wait3A_70 : memref<1x8192xf32, #tpu.memory_space<hbm>> -> memref<8192xf32, #tpu.memory_space<hbm>>
        tpu.wait_dma2 semaphore(%run_scoped3A : memref<!tpu.dma_semaphore, #tpu.memory_space<semaphore_mem>>) src(%dma_wait3A_71 : memref<8192xf32, #tpu.memory_space<hbm>>) dst(%arg6 : memref<8192xf32, #tpu.memory_space<vmem>>)
        tpu.yield
      }) : () -> ()
      %parallel_loop3A = arith.constant 0 : i32
      %parallel_loop3A_55 = arith.constant 512 : i32
      %parallel_loop3A_56 = arith.constant 1 : i32
      %parallel_loop3A_57 = arith.constant 0 : i32
      %parallel_loop3A_58 = arith.constant 0 : i32
      %parallel_loop3A_59:2 = scf.for %parallel_loop3A_66 = %parallel_loop3A to %parallel_loop3A_55 step %parallel_loop3A_56 iter_args(%parallel_loop3A_67 = %parallel_loop3A_57, %parallel_loop3A_68 = %parallel_loop3A_58) -> (i32, i32)  : i32 {
        %parallel_loop3A_69 = arith.constant 16 : i32
        %parallel_loop3A_70 = arith.muli %parallel_loop3A_66, %parallel_loop3A_69 : i32
        %parallel_loop3A_71 = arith.index_cast %parallel_loop3A_70 : i32 to index
        %parallel_loop3A_72 = tpu.vector_load %arg6[%parallel_loop3A_71] {strides = array<i32>} : memref<8192xf32, #tpu.memory_space<vmem>>, vector<16xf32>,
        %parallel_loop3A_73 = arith.constant 5.000000e-01 : f32
        %parallel_loop3A_74 = vector.broadcast %parallel_loop3A_73 : f32 to vector<16xf32>
        %parallel_loop3A_75 = arith.cmpf ogt, %parallel_loop3A_72, %parallel_loop3A_74 : vector<16xf32>
        %parallel_loop3A_76 = arith.constant 1.000000e+00 : f32
        %parallel_loop3A_77 = vector.broadcast %parallel_loop3A_76 : f32 to vector<16xf32>
        %parallel_loop3A_78 = arith.subf %parallel_loop3A_77, %parallel_loop3A_72 : vector<16xf32>
        %parallel_loop3A_79 = arith.constant 5.000000e-01 : f32
        %parallel_loop3A_80 = vector.broadcast %parallel_loop3A_79 : f32 to vector<16xf32>
        %parallel_loop3A_81 = arith.cmpf ogt, %parallel_loop3A_78, %parallel_loop3A_80 : vector<16xf32>
        %parallel_loop3A_82 = arith.extui %parallel_loop3A_81 : vector<16xi1> to vector<16xi32>
        %parallel_loop3A_83 = arith.constant 16 : i32
        %parallel_loop3A_84 = arith.muli %parallel_loop3A_66, %parallel_loop3A_83 : i32
        %parallel_loop3A_85 = arith.addi %add3A_54, %parallel_loop3A_84 : i32
        %parallel_loop3A_86 = vector.broadcast %parallel_loop3A_85 : i32 to vector<16xi32>
        %parallel_loop3A_87 = arith.addi %parallel_loop3A_86, %iota3A : vector<16xi32>
        %parallel_loop3A_88 = tpu.all_reduce %parallel_loop3A_75 {dim = 0 : i64, kind = #tpu.reduction_kind<sum>} : vector<16xi1> -> vector<16xi32>
        %parallel_loop3A_89 = vector.extract_strided_slice %parallel_loop3A_88 {offsets = [0], sizes = [1], strides = [1]} : vector<16xi32> to vector<1xi32>
        %parallel_loop3A_90 = vector.extract %parallel_loop3A_89[0] : i32 from vector<1xi32>
        %parallel_loop3A_91 = arith.index_cast %parallel_loop3A_67 : i32 to index
        %parallel_loop3A_92 = tpu.vector_load %arg7[%parallel_loop3A_91] masked %parallel_loop3A_75 {strides = array<i32>} : memref<8208xi32, #tpu.memory_space<vmem>>, vector<16xi32>, vector<16xi1>
        tpu.vector_store %arg7[%parallel_loop3A_91], %parallel_loop3A_87 masked %parallel_loop3A_75 {strides = array<i32>} : memref<8208xi32, #tpu.memory_space<vmem>>, vector<16xi32>, vector<16xi1>
        %parallel_loop3A_93 = arith.constant 15 : i32
        %parallel_loop3A_94 = vector.broadcast %parallel_loop3A_93 : i32 to vector<16xi32>
        %parallel_loop3A_95 = tpu.iota {dimensions = array<i32: 0>} : vector<16xi32>
        %parallel_loop3A_96 = arith.subi %parallel_loop3A_94, %parallel_loop3A_95 : vector<16xi32>
        %parallel_loop3A_97 = tpu.dynamic_gather %parallel_loop3A_82[%parallel_loop3A_96] in [0] : vector<16xi32>, vector<16xi32> -> vector<16xi32>
        %parallel_loop3A_98 = arith.constant 1 : i32
        %parallel_loop3A_99 = vector.broadcast %parallel_loop3A_98 : i32 to vector<16xi32>
        %parallel_loop3A_100 = arith.cmpi eq, %parallel_loop3A_97, %parallel_loop3A_99 : vector<16xi32>
        %parallel_loop3A_101 = arith.constant 15 : i32
        %parallel_loop3A_102 = vector.broadcast %parallel_loop3A_101 : i32 to vector<16xi32>
        %parallel_loop3A_103 = tpu.iota {dimensions = array<i32: 0>} : vector<16xi32>
        %parallel_loop3A_104 = arith.subi %parallel_loop3A_102, %parallel_loop3A_103 : vector<16xi32>
        %parallel_loop3A_105 = tpu.dynamic_gather %parallel_loop3A_87[%parallel_loop3A_104] in [0] : vector<16xi32>, vector<16xi32> -> vector<16xi32>
        %parallel_loop3A_106 = tpu.all_reduce %parallel_loop3A_100 {dim = 0 : i64, kind = #tpu.reduction_kind<sum>} : vector<16xi1> -> vector<16xi32>
        %parallel_loop3A_107 = vector.extract_strided_slice %parallel_loop3A_106 {offsets = [0], sizes = [1], strides = [1]} : vector<16xi32> to vector<1xi32>
        %parallel_loop3A_108 = vector.extract %parallel_loop3A_107[0] : i32 from vector<1xi32>
        %parallel_loop3A_109 = arith.constant 8192 : i32
        %parallel_loop3A_110 = arith.subi %parallel_loop3A_109, %parallel_loop3A_68 : i32
        %parallel_loop3A_111 = arith.subi %parallel_loop3A_110, %parallel_loop3A_108 : i32
        %parallel_loop3A_112 = arith.index_cast %parallel_loop3A_111 : i32 to index
        %parallel_loop3A_113 = tpu.vector_load %arg7[%parallel_loop3A_112] masked %parallel_loop3A_100 {strides = array<i32>} : memref<8208xi32, #tpu.memory_space<vmem>>, vector<16xi32>, vector<16xi1>
        tpu.vector_store %arg7[%parallel_loop3A_112], %parallel_loop3A_105 masked %parallel_loop3A_100 {strides = array<i32>} : memref<8208xi32, #tpu.memory_space<vmem>>, vector<16xi32>, vector<16xi1>
        %parallel_loop3A_114 = arith.addi %parallel_loop3A_67, %parallel_loop3A_90 : i32
        %parallel_loop3A_115 = arith.addi %parallel_loop3A_68, %parallel_loop3A_108 : i32
        scf.yield %parallel_loop3A_114, %parallel_loop3A_115 : i32, i32
      } {sc.loop_unroll_factor = 4 : i64, sc.parallel_access}
      %broadcast_in_dim3A = vector.broadcast %scan3A_49 : i32 to vector<16xi32>
      %broadcast_in_dim3A_60 = vector.broadcast %parallel_loop3A_59#0 : i32 to vector<16xi32>
      tpu.vector_store_idx %arg8[%broadcast_in_dim3A], %broadcast_in_dim3A_60 masked %eq3A_33 : memref<16xi32, #tpu.memory_space<vmem>>[vector<16xi32>], vector<16xi32>, vector<16xi1>
      %broadcast_in_dim3A_61 = vector.broadcast %scan3A_49 : i32 to vector<16xi32>
      %broadcast_in_dim3A_62 = vector.broadcast %parallel_loop3A_59#1 : i32 to vector<16xi32>
      tpu.vector_store_idx %arg9[%broadcast_in_dim3A_61], %broadcast_in_dim3A_62 masked %eq3A_33 : memref<16xi32, #tpu.memory_space<vmem>>[vector<16xi32>], vector<16xi32>, vector<16xi1>
      %mul3A_63 = arith.constant 262144 : i32
      %mul3A_64 = arith.muli %select_n3A, %mul3A_63 : i32
      %add3A_65 = arith.addi %mul3A_64, %add3A_54 : i32
      "tpu.region"() ({
        %run_scoped3A = tpu.sem_alloc : memref<!tpu.dma_semaphore, #tpu.memory_space<semaphore_mem>>
        %dma_start3A = arith.constant 0 : i32
        %dma_start3A_66 = tpu.memref_slice %arg7[%dma_start3A] : memref<8208xi32, #tpu.memory_space<vmem>> -> memref<8192xi32, #tpu.memory_space<vmem>>
        %dma_start3A_67 = tpu.memref_slice %arg3[%add3A_65] : memref<4194304xi32, #tpu.memory_space<hbm>> -> memref<8192xi32, #tpu.memory_space<hbm>>
        %dma_start3A_68 = tpu.memref_slice %arg3[%add3A_65] : memref<4194304xi32, #tpu.memory_space<hbm>> -> memref<8192xi32, #tpu.memory_space<hbm>>
        %dma_start3A_69 = arith.constant 0 : i32
        %dma_start3A_70 = tpu.memref_slice %arg7[%dma_start3A_69] : memref<8208xi32, #tpu.memory_space<vmem>> -> memref<8192xi32, #tpu.memory_space<vmem>>
        tpu.enqueue_dma source(%dma_start3A_70 : memref<8192xi32, #tpu.memory_space<vmem>>) target(%dma_start3A_68 : memref<8192xi32, #tpu.memory_space<hbm>>) target_semaphore(%run_scoped3A : memref<!tpu.dma_semaphore, #tpu.memory_space<semaphore_mem>>)
        %dma_wait3A = arith.constant 0 : i32
        %dma_wait3A_71 = tpu.memref_slice %arg7[%dma_wait3A] : memref<8208xi32, #tpu.memory_space<vmem>> -> memref<8192xi32, #tpu.memory_space<vmem>>
        %dma_wait3A_72 = tpu.memref_slice %arg3[%add3A_65] : memref<4194304xi32, #tpu.memory_space<hbm>> -> memref<8192xi32, #tpu.memory_space<hbm>>
        %dma_wait3A_73 = tpu.memref_slice %arg3[%add3A_65] : memref<4194304xi32, #tpu.memory_space<hbm>> -> memref<8192xi32, #tpu.memory_space<hbm>>
        %dma_wait3A_74 = arith.constant 0 : i32
        %dma_wait3A_75 = tpu.memref_slice %arg7[%dma_wait3A_74] : memref<8208xi32, #tpu.memory_space<vmem>> -> memref<8192xi32, #tpu.memory_space<vmem>>
        tpu.wait_dma2 semaphore(%run_scoped3A : memref<!tpu.dma_semaphore, #tpu.memory_space<semaphore_mem>>) src(%dma_wait3A_75 : memref<8192xi32, #tpu.memory_space<vmem>>) dst(%dma_wait3A_73 : memref<8192xi32, #tpu.memory_space<hbm>>)
        tpu.yield
      }) : () -> ()
    }
    %scan3A_38 = arith.constant 16 : i32
    %mul3A_39 = arith.constant 32 : i32
    %mul3A_40 = arith.muli %select_n3A, %mul3A_39 : i32
    %mul3A_41 = arith.constant 16 : i32
    %mul3A_42 = arith.muli %select_n3A_30, %mul3A_41 : i32
    %add3A_43 = arith.addi %mul3A_40, %mul3A_42 : i32
    "tpu.region"() ({
      %run_scoped3A = tpu.sem_alloc : memref<!tpu.dma_semaphore, #tpu.memory_space<semaphore_mem>>
      %dma_start3A = tpu.memref_slice %arg4[%add3A_43] : memref<512xi32, #tpu.memory_space<hbm>> -> memref<16xi32, #tpu.memory_space<hbm>>
      %dma_start3A_49 = tpu.memref_slice %arg4[%add3A_43] : memref<512xi32, #tpu.memory_space<hbm>> -> memref<16xi32, #tpu.memory_space<hbm>>
      tpu.enqueue_dma source(%arg8 : memref<16xi32, #tpu.memory_space<vmem>>) target(%dma_start3A_49 : memref<16xi32, #tpu.memory_space<hbm>>) target_semaphore(%run_scoped3A : memref<!tpu.dma_semaphore, #tpu.memory_space<semaphore_mem>>)
      %dma_wait3A = tpu.memref_slice %arg4[%add3A_43] : memref<512xi32, #tpu.memory_space<hbm>> -> memref<16xi32, #tpu.memory_space<hbm>>
      %dma_wait3A_50 = tpu.memref_slice %arg4[%add3A_43] : memref<512xi32, #tpu.memory_space<hbm>> -> memref<16xi32, #tpu.memory_space<hbm>>
      tpu.wait_dma2 semaphore(%run_scoped3A : memref<!tpu.dma_semaphore, #tpu.memory_space<semaphore_mem>>) src(%arg8 : memref<16xi32, #tpu.memory_space<vmem>>) dst(%dma_wait3A_50 : memref<16xi32, #tpu.memory_space<hbm>>)
      tpu.yield
    }) : () -> ()
    %mul3A_44 = arith.constant 32 : i32
    %mul3A_45 = arith.muli %select_n3A, %mul3A_44 : i32
    %mul3A_46 = arith.constant 16 : i32
    %mul3A_47 = arith.muli %select_n3A_30, %mul3A_46 : i32
    %add3A_48 = arith.addi %mul3A_45, %mul3A_47 : i32
    "tpu.region"() ({
      %run_scoped3A = tpu.sem_alloc : memref<!tpu.dma_semaphore, #tpu.memory_space<semaphore_mem>>
      %dma_start3A = tpu.memref_slice %arg5[%add3A_48] : memref<512xi32, #tpu.memory_space<hbm>> -> memref<16xi32, #tpu.memory_space<hbm>>
      %dma_start3A_49 = tpu.memref_slice %arg5[%add3A_48] : memref<512xi32, #tpu.memory_space<hbm>> -> memref<16xi32, #tpu.memory_space<hbm>>
      tpu.enqueue_dma source(%arg9 : memref<16xi32, #tpu.memory_space<vmem>>) target(%dma_start3A_49 : memref<16xi32, #tpu.memory_space<hbm>>) target_semaphore(%run_scoped3A : memref<!tpu.dma_semaphore, #tpu.memory_space<semaphore_mem>>)
      %dma_wait3A = tpu.memref_slice %arg5[%add3A_48] : memref<512xi32, #tpu.memory_space<hbm>> -> memref<16xi32, #tpu.memory_space<hbm>>
      %dma_wait3A_50 = tpu.memref_slice %arg5[%add3A_48] : memref<512xi32, #tpu.memory_space<hbm>> -> memref<16xi32, #tpu.memory_space<hbm>>
      tpu.wait_dma2 semaphore(%run_scoped3A : memref<!tpu.dma_semaphore, #tpu.memory_space<semaphore_mem>>) src(%arg9 : memref<16xi32, #tpu.memory_space<vmem>>) dst(%dma_wait3A_50 : memref<16xi32, #tpu.memory_space<hbm>>)
      tpu.yield
    }) : () -> ()
    return
  }
}

#map = affine_map<(d0, d1) -> (0)>
#map1 = affine_map<(d0, d1) -> (0, 0)>
module attributes {stable_mosaic.version = 14 : i64} {
  func.func @_sc_gather(%arg0: i32, %arg1: i32, %arg2: memref<4194304xi32, #tpu.memory_space<hbm>>, %arg3: memref<512xi32, #tpu.memory_space<hbm>>, %arg4: memref<512xi32, #tpu.memory_space<hbm>>, %arg5: memref<16x16384xi32, #tpu.memory_space<hbm>>, %arg6: memref<16x16384xf32, #tpu.memory_space<hbm>>, %arg7: memref<16x16384xf32, #tpu.memory_space<hbm>>, %arg8: memref<16x32768xf32, #tpu.memory_space<hbm>>, %arg9: memref<16x16384xf32, #tpu.memory_space<hbm>>, %arg10: memref<16x16384xf32, #tpu.memory_space<hbm>>, %arg11: memref<64xi32, #tpu.memory_space<vmem>>, %arg12: memref<64xi32, #tpu.memory_space<vmem>>, %arg13: memref<8192xi32, #tpu.memory_space<vmem>>, %arg14: memref<8192xi32, #tpu.memory_space<vmem>>, %arg15: memref<8192xi32, #tpu.memory_space<vmem>>, %arg16: memref<8192xf32, #tpu.memory_space<vmem>>, %arg17: memref<8192xf32, #tpu.memory_space<vmem>>, %arg18: memref<8192xf32, #tpu.memory_space<vmem>>, %arg19: memref<8192xf32, #tpu.memory_space<vmem>>, %arg20: memref<16384xf32, #tpu.memory_space<vmem>>, %arg21: memref<!tpu.dma_semaphore, #tpu.memory_space<semaphore_mem>>) attributes {dimension_semantics = [#tpu.dimension_semantics<core_parallel>, #tpu.dimension_semantics<subcore_parallel>], iteration_bounds = array<i64: 2, 16>, scalar_prefetch = 0 : i64, scratch_operands = 11 : i64, tpu.core_type = #tpu.core_type<sc_vector_subcore>, window_params = [{transform_indices = #map}, {transform_indices = #map}, {transform_indices = #map}, {transform_indices = #map1}, {transform_indices = #map1}, {transform_indices = #map1}, {transform_indices = #map1}, {transform_indices = #map1}, {transform_indices = #map1}]} {
    %mul3A = arith.constant 2 : i32
    %mul3A_0 = arith.muli %arg1, %mul3A : i32
    %add3A = arith.addi %mul3A_0, %arg0 : i32
    %jit3A = arith.constant 2 : i32
    %div3A = arith.divsi %add3A, %jit3A : i32
    %sign3A = arith.constant 0 : i32
    %sign3A_1 = arith.cmpi sgt, %add3A, %sign3A : i32
    %sign3A_2 = arith.extui %sign3A_1 : i1 to i32
    %sign3A_3 = arith.constant 0 : i32
    %sign3A_4 = arith.cmpi slt, %add3A, %sign3A_3 : i32
    %sign3A_5 = arith.extui %sign3A_4 : i1 to i32
    %sign3A_6 = arith.subi %sign3A_2, %sign3A_5 : i32
    %sign3A_7 = arith.constant 0 : i32
    %sign3A_8 = arith.cmpi sgt, %jit3A, %sign3A_7 : i32
    %sign3A_9 = arith.extui %sign3A_8 : i1 to i32
    %sign3A_10 = arith.constant 0 : i32
    %sign3A_11 = arith.cmpi slt, %jit3A, %sign3A_10 : i32
    %sign3A_12 = arith.extui %sign3A_11 : i1 to i32
    %sign3A_13 = arith.subi %sign3A_9, %sign3A_12 : i32
    %ne3A = arith.cmpi ne, %sign3A_6, %sign3A_13 : i32
    %rem3A = arith.remsi %add3A, %jit3A : i32
    %ne3A_14 = arith.constant 0 : i32
    %ne3A_15 = arith.cmpi ne, %rem3A, %ne3A_14 : i32
    %and3A = arith.andi %ne3A, %ne3A_15 : i1
    %sub3A = arith.constant 1 : i32
    %sub3A_16 = arith.subi %div3A, %sub3A : i32
    %select_n3A = arith.select %and3A, %sub3A_16, %div3A : i32
    %jit3A_17 = arith.constant 2 : i32
    %eq3A = arith.constant 0 : i32
    %eq3A_18 = arith.cmpi eq, %jit3A_17, %eq3A : i32
    %jit3A_19 = arith.constant 1 : i32
    %select_n3A_20 = arith.select %eq3A_18, %jit3A_19, %jit3A_17 : i32
    %rem3A_21 = arith.remsi %add3A, %select_n3A_20 : i32
    %ne3A_22 = arith.constant 0 : i32
    %ne3A_23 = arith.cmpi ne, %rem3A_21, %ne3A_22 : i32
    %lt3A = arith.constant 0 : i32
    %lt3A_24 = arith.cmpi slt, %rem3A_21, %lt3A : i32
    %lt3A_25 = arith.constant 0 : i32
    %lt3A_26 = arith.cmpi slt, %select_n3A_20, %lt3A_25 : i32
    %ne3A_27 = arith.xori %lt3A_24, %lt3A_26 : i1
    %and3A_28 = arith.andi %ne3A_27, %ne3A_23 : i1
    %add3A_29 = arith.addi %rem3A_21, %select_n3A_20 : i32
    %select_n3A_30 = arith.select %and3A_28, %add3A_29, %rem3A_21 : i32
    %iota3A = tpu.iota {dimensions = array<i32: 0>} : vector<16xi32>
    %mul3A_31 = arith.constant 8192 : i32
    %mul3A_32 = arith.muli %select_n3A_30, %mul3A_31 : i32
    %mul3A_33 = arith.constant 32 : i32
    %mul3A_34 = arith.muli %select_n3A, %mul3A_33 : i32
    "tpu.region"() ({
      %run_scoped3A = tpu.sem_alloc : memref<!tpu.dma_semaphore, #tpu.memory_space<semaphore_mem>>
      %dma_start3A_111 = arith.constant 0 : i32
      %dma_start3A_112 = tpu.memref_slice %arg11[%dma_start3A_111] : memref<64xi32, #tpu.memory_space<vmem>> -> memref<32xi32, #tpu.memory_space<vmem>>
      %dma_start3A_113 = tpu.memref_slice %arg3[%mul3A_34] : memref<512xi32, #tpu.memory_space<hbm>> -> memref<32xi32, #tpu.memory_space<hbm>>
      %dma_start3A_114 = arith.constant 0 : i32
      %dma_start3A_115 = tpu.memref_slice %arg11[%dma_start3A_114] : memref<64xi32, #tpu.memory_space<vmem>> -> memref<32xi32, #tpu.memory_space<vmem>>
      %dma_start3A_116 = tpu.memref_slice %arg3[%mul3A_34] : memref<512xi32, #tpu.memory_space<hbm>> -> memref<32xi32, #tpu.memory_space<hbm>>
      tpu.enqueue_dma source(%dma_start3A_116 : memref<32xi32, #tpu.memory_space<hbm>>) target(%dma_start3A_115 : memref<32xi32, #tpu.memory_space<vmem>>) target_semaphore(%run_scoped3A : memref<!tpu.dma_semaphore, #tpu.memory_space<semaphore_mem>>)
      %dma_wait3A_117 = arith.constant 0 : i32
      %dma_wait3A_118 = tpu.memref_slice %arg11[%dma_wait3A_117] : memref<64xi32, #tpu.memory_space<vmem>> -> memref<32xi32, #tpu.memory_space<vmem>>
      %dma_wait3A_119 = tpu.memref_slice %arg3[%mul3A_34] : memref<512xi32, #tpu.memory_space<hbm>> -> memref<32xi32, #tpu.memory_space<hbm>>
      %dma_wait3A_120 = arith.constant 0 : i32
      %dma_wait3A_121 = tpu.memref_slice %arg11[%dma_wait3A_120] : memref<64xi32, #tpu.memory_space<vmem>> -> memref<32xi32, #tpu.memory_space<vmem>>
      %dma_wait3A_122 = tpu.memref_slice %arg3[%mul3A_34] : memref<512xi32, #tpu.memory_space<hbm>> -> memref<32xi32, #tpu.memory_space<hbm>>
      tpu.wait_dma2 semaphore(%run_scoped3A : memref<!tpu.dma_semaphore, #tpu.memory_space<semaphore_mem>>) src(%dma_wait3A_122 : memref<32xi32, #tpu.memory_space<hbm>>) dst(%dma_wait3A_121 : memref<32xi32, #tpu.memory_space<vmem>>)
      tpu.yield
    }) : () -> ()
    %mul3A_35 = arith.constant 32 : i32
    %mul3A_36 = arith.muli %select_n3A, %mul3A_35 : i32
    "tpu.region"() ({
      %run_scoped3A = tpu.sem_alloc : memref<!tpu.dma_semaphore, #tpu.memory_space<semaphore_mem>>
      %dma_start3A_111 = arith.constant 32 : i32
      %dma_start3A_112 = tpu.memref_slice %arg11[%dma_start3A_111] : memref<64xi32, #tpu.memory_space<vmem>> -> memref<32xi32, #tpu.memory_space<vmem>>
      %dma_start3A_113 = tpu.memref_slice %arg4[%mul3A_36] : memref<512xi32, #tpu.memory_space<hbm>> -> memref<32xi32, #tpu.memory_space<hbm>>
      %dma_start3A_114 = arith.constant 32 : i32
      %dma_start3A_115 = tpu.memref_slice %arg11[%dma_start3A_114] : memref<64xi32, #tpu.memory_space<vmem>> -> memref<32xi32, #tpu.memory_space<vmem>>
      %dma_start3A_116 = tpu.memref_slice %arg4[%mul3A_36] : memref<512xi32, #tpu.memory_space<hbm>> -> memref<32xi32, #tpu.memory_space<hbm>>
      tpu.enqueue_dma source(%dma_start3A_116 : memref<32xi32, #tpu.memory_space<hbm>>) target(%dma_start3A_115 : memref<32xi32, #tpu.memory_space<vmem>>) target_semaphore(%run_scoped3A : memref<!tpu.dma_semaphore, #tpu.memory_space<semaphore_mem>>)
      %dma_wait3A_117 = arith.constant 32 : i32
      %dma_wait3A_118 = tpu.memref_slice %arg11[%dma_wait3A_117] : memref<64xi32, #tpu.memory_space<vmem>> -> memref<32xi32, #tpu.memory_space<vmem>>
      %dma_wait3A_119 = tpu.memref_slice %arg4[%mul3A_36] : memref<512xi32, #tpu.memory_space<hbm>> -> memref<32xi32, #tpu.memory_space<hbm>>
      %dma_wait3A_120 = arith.constant 32 : i32
      %dma_wait3A_121 = tpu.memref_slice %arg11[%dma_wait3A_120] : memref<64xi32, #tpu.memory_space<vmem>> -> memref<32xi32, #tpu.memory_space<vmem>>
      %dma_wait3A_122 = tpu.memref_slice %arg4[%mul3A_36] : memref<512xi32, #tpu.memory_space<hbm>> -> memref<32xi32, #tpu.memory_space<hbm>>
      tpu.wait_dma2 semaphore(%run_scoped3A : memref<!tpu.dma_semaphore, #tpu.memory_space<semaphore_mem>>) src(%dma_wait3A_122 : memref<32xi32, #tpu.memory_space<hbm>>) dst(%dma_wait3A_121 : memref<32xi32, #tpu.memory_space<vmem>>)
      tpu.yield
    }) : () -> ()
    "tpu.region"() ({
      %run_scoped3A = tpu.sem_alloc : memref<!tpu.dma_semaphore, #tpu.memory_space<semaphore_mem>>
      %dma_start3A_111 = tpu.memref_slice %arg5[%select_n3A, %mul3A_32] : memref<16x16384xi32, #tpu.memory_space<hbm>> -> memref<1x8192xi32, #tpu.memory_space<hbm>>
      %dma_start3A_112 = tpu.memref_squeeze %dma_start3A_111 : memref<1x8192xi32, #tpu.memory_space<hbm>> -> memref<8192xi32, #tpu.memory_space<hbm>>
      %dma_start3A_113 = tpu.memref_slice %arg5[%select_n3A, %mul3A_32] : memref<16x16384xi32, #tpu.memory_space<hbm>> -> memref<1x8192xi32, #tpu.memory_space<hbm>>
      %dma_start3A_114 = tpu.memref_squeeze %dma_start3A_113 : memref<1x8192xi32, #tpu.memory_space<hbm>> -> memref<8192xi32, #tpu.memory_space<hbm>>
      tpu.enqueue_dma source(%dma_start3A_114 : memref<8192xi32, #tpu.memory_space<hbm>>) target(%arg13 : memref<8192xi32, #tpu.memory_space<vmem>>) target_semaphore(%run_scoped3A : memref<!tpu.dma_semaphore, #tpu.memory_space<semaphore_mem>>)
      %dma_wait3A_115 = tpu.memref_slice %arg5[%select_n3A, %mul3A_32] : memref<16x16384xi32, #tpu.memory_space<hbm>> -> memref<1x8192xi32, #tpu.memory_space<hbm>>
      %dma_wait3A_116 = tpu.memref_squeeze %dma_wait3A_115 : memref<1x8192xi32, #tpu.memory_space<hbm>> -> memref<8192xi32, #tpu.memory_space<hbm>>
      %dma_wait3A_117 = tpu.memref_slice %arg5[%select_n3A, %mul3A_32] : memref<16x16384xi32, #tpu.memory_space<hbm>> -> memref<1x8192xi32, #tpu.memory_space<hbm>>
      %dma_wait3A_118 = tpu.memref_squeeze %dma_wait3A_117 : memref<1x8192xi32, #tpu.memory_space<hbm>> -> memref<8192xi32, #tpu.memory_space<hbm>>
      tpu.wait_dma2 semaphore(%run_scoped3A : memref<!tpu.dma_semaphore, #tpu.memory_space<semaphore_mem>>) src(%dma_wait3A_118 : memref<8192xi32, #tpu.memory_space<hbm>>) dst(%arg13 : memref<8192xi32, #tpu.memory_space<vmem>>)
      tpu.yield
    }) : () -> ()
    "tpu.region"() ({
      %run_scoped3A = tpu.sem_alloc : memref<!tpu.dma_semaphore, #tpu.memory_space<semaphore_mem>>
      %dma_start3A_111 = tpu.memref_slice %arg6[%select_n3A, %mul3A_32] : memref<16x16384xf32, #tpu.memory_space<hbm>> -> memref<1x8192xf32, #tpu.memory_space<hbm>>
      %dma_start3A_112 = tpu.memref_squeeze %dma_start3A_111 : memref<1x8192xf32, #tpu.memory_space<hbm>> -> memref<8192xf32, #tpu.memory_space<hbm>>
      %dma_start3A_113 = tpu.memref_slice %arg6[%select_n3A, %mul3A_32] : memref<16x16384xf32, #tpu.memory_space<hbm>> -> memref<1x8192xf32, #tpu.memory_space<hbm>>
      %dma_start3A_114 = tpu.memref_squeeze %dma_start3A_113 : memref<1x8192xf32, #tpu.memory_space<hbm>> -> memref<8192xf32, #tpu.memory_space<hbm>>
      tpu.enqueue_dma source(%dma_start3A_114 : memref<8192xf32, #tpu.memory_space<hbm>>) target(%arg16 : memref<8192xf32, #tpu.memory_space<vmem>>) target_semaphore(%run_scoped3A : memref<!tpu.dma_semaphore, #tpu.memory_space<semaphore_mem>>)
      %dma_wait3A_115 = tpu.memref_slice %arg6[%select_n3A, %mul3A_32] : memref<16x16384xf32, #tpu.memory_space<hbm>> -> memref<1x8192xf32, #tpu.memory_space<hbm>>
      %dma_wait3A_116 = tpu.memref_squeeze %dma_wait3A_115 : memref<1x8192xf32, #tpu.memory_space<hbm>> -> memref<8192xf32, #tpu.memory_space<hbm>>
      %dma_wait3A_117 = tpu.memref_slice %arg6[%select_n3A, %mul3A_32] : memref<16x16384xf32, #tpu.memory_space<hbm>> -> memref<1x8192xf32, #tpu.memory_space<hbm>>
      %dma_wait3A_118 = tpu.memref_squeeze %dma_wait3A_117 : memref<1x8192xf32, #tpu.memory_space<hbm>> -> memref<8192xf32, #tpu.memory_space<hbm>>
      tpu.wait_dma2 semaphore(%run_scoped3A : memref<!tpu.dma_semaphore, #tpu.memory_space<semaphore_mem>>) src(%dma_wait3A_118 : memref<8192xf32, #tpu.memory_space<hbm>>) dst(%arg16 : memref<8192xf32, #tpu.memory_space<vmem>>)
      tpu.yield
    }) : () -> ()
    "tpu.region"() ({
      %run_scoped3A = tpu.sem_alloc : memref<!tpu.dma_semaphore, #tpu.memory_space<semaphore_mem>>
      %dma_start3A_111 = tpu.memref_slice %arg7[%select_n3A, %mul3A_32] : memref<16x16384xf32, #tpu.memory_space<hbm>> -> memref<1x8192xf32, #tpu.memory_space<hbm>>
      %dma_start3A_112 = tpu.memref_squeeze %dma_start3A_111 : memref<1x8192xf32, #tpu.memory_space<hbm>> -> memref<8192xf32, #tpu.memory_space<hbm>>
      %dma_start3A_113 = tpu.memref_slice %arg7[%select_n3A, %mul3A_32] : memref<16x16384xf32, #tpu.memory_space<hbm>> -> memref<1x8192xf32, #tpu.memory_space<hbm>>
      %dma_start3A_114 = tpu.memref_squeeze %dma_start3A_113 : memref<1x8192xf32, #tpu.memory_space<hbm>> -> memref<8192xf32, #tpu.memory_space<hbm>>
      tpu.enqueue_dma source(%dma_start3A_114 : memref<8192xf32, #tpu.memory_space<hbm>>) target(%arg17 : memref<8192xf32, #tpu.memory_space<vmem>>) target_semaphore(%run_scoped3A : memref<!tpu.dma_semaphore, #tpu.memory_space<semaphore_mem>>)
      %dma_wait3A_115 = tpu.memref_slice %arg7[%select_n3A, %mul3A_32] : memref<16x16384xf32, #tpu.memory_space<hbm>> -> memref<1x8192xf32, #tpu.memory_space<hbm>>
      %dma_wait3A_116 = tpu.memref_squeeze %dma_wait3A_115 : memref<1x8192xf32, #tpu.memory_space<hbm>> -> memref<8192xf32, #tpu.memory_space<hbm>>
      %dma_wait3A_117 = tpu.memref_slice %arg7[%select_n3A, %mul3A_32] : memref<16x16384xf32, #tpu.memory_space<hbm>> -> memref<1x8192xf32, #tpu.memory_space<hbm>>
      %dma_wait3A_118 = tpu.memref_squeeze %dma_wait3A_117 : memref<1x8192xf32, #tpu.memory_space<hbm>> -> memref<8192xf32, #tpu.memory_space<hbm>>
      tpu.wait_dma2 semaphore(%run_scoped3A : memref<!tpu.dma_semaphore, #tpu.memory_space<semaphore_mem>>) src(%dma_wait3A_118 : memref<8192xf32, #tpu.memory_space<hbm>>) dst(%arg17 : memref<8192xf32, #tpu.memory_space<vmem>>)
      tpu.yield
    }) : () -> ()
    %get3A = arith.constant 0 : index
    %get3A_37 = tpu.vector_load %arg11[%get3A] {strides = array<i32>} : memref<64xi32, #tpu.memory_space<vmem>>, vector<16xi32>,
    %broadcast_in_dim3A = arith.constant true
    %broadcast_in_dim3A_38 = vector.broadcast %broadcast_in_dim3A : i1 to vector<16xi1>
    %masked_cumsum3A = tpu.scan <sum>, %get3A_37 masked %broadcast_in_dim3A_38 : vector<16xi32>, vector<16xi1> -> vector<16xi32>
    %sub3A_39 = arith.subi %masked_cumsum3A, %get3A_37 : vector<16xi32>
    %add3A_40 = arith.constant 0 : i32
    %add3A_41 = vector.broadcast %add3A_40 : i32 to vector<16xi32>
    %add3A_42 = arith.addi %sub3A_39, %add3A_41 : vector<16xi32>
    %swap3A = arith.constant 0 : index
    %swap3A_43 = tpu.vector_load %arg12[%swap3A] {strides = array<i32>} : memref<64xi32, #tpu.memory_space<vmem>>, vector<16xi32>,
    tpu.vector_store %arg12[%swap3A], %add3A_42 {strides = array<i32>} : memref<64xi32, #tpu.memory_space<vmem>>, vector<16xi32>,
    %reduce_sum3A = arith.constant true
    %reduce_sum3A_44 = vector.broadcast %reduce_sum3A : i1 to vector<16xi1>
    %reduce_sum3A_45 = tpu.scan <sum>, %get3A_37 masked %reduce_sum3A_44 : vector<16xi32>, vector<16xi1> -> vector<16xi32>
    %reduce_sum3A_46 = vector.extract %reduce_sum3A_45[15] : i32 from vector<16xi32>
    %add3A_47 = arith.constant 0 : i32
    %add3A_48 = arith.addi %add3A_47, %reduce_sum3A_46 : i32
    %get3A_49 = arith.constant 16 : index
    %get3A_50 = tpu.vector_load %arg11[%get3A_49] {strides = array<i32>} : memref<64xi32, #tpu.memory_space<vmem>>, vector<16xi32>,
    %broadcast_in_dim3A_51 = arith.constant true
    %broadcast_in_dim3A_52 = vector.broadcast %broadcast_in_dim3A_51 : i1 to vector<16xi1>
    %masked_cumsum3A_53 = tpu.scan <sum>, %get3A_50 masked %broadcast_in_dim3A_52 : vector<16xi32>, vector<16xi1> -> vector<16xi32>
    %sub3A_54 = arith.subi %masked_cumsum3A_53, %get3A_50 : vector<16xi32>
    %add3A_55 = vector.broadcast %add3A_48 : i32 to vector<16xi32>
    %add3A_56 = arith.addi %sub3A_54, %add3A_55 : vector<16xi32>
    %swap3A_57 = arith.constant 16 : index
    %swap3A_58 = tpu.vector_load %arg12[%swap3A_57] {strides = array<i32>} : memref<64xi32, #tpu.memory_space<vmem>>, vector<16xi32>,
    tpu.vector_store %arg12[%swap3A_57], %add3A_56 {strides = array<i32>} : memref<64xi32, #tpu.memory_space<vmem>>, vector<16xi32>,
    %reduce_sum3A_59 = arith.constant true
    %reduce_sum3A_60 = vector.broadcast %reduce_sum3A_59 : i1 to vector<16xi1>
    %reduce_sum3A_61 = tpu.scan <sum>, %get3A_50 masked %reduce_sum3A_60 : vector<16xi32>, vector<16xi1> -> vector<16xi32>
    %reduce_sum3A_62 = vector.extract %reduce_sum3A_61[15] : i32 from vector<16xi32>
    %add3A_63 = arith.addi %add3A_48, %reduce_sum3A_62 : i32
    %get3A_64 = arith.constant 32 : index
    %get3A_65 = tpu.vector_load %arg11[%get3A_64] {strides = array<i32>} : memref<64xi32, #tpu.memory_space<vmem>>, vector<16xi32>,
    %broadcast_in_dim3A_66 = arith.constant true
    %broadcast_in_dim3A_67 = vector.broadcast %broadcast_in_dim3A_66 : i1 to vector<16xi1>
    %masked_cumsum3A_68 = tpu.scan <sum>, %get3A_65 masked %broadcast_in_dim3A_67 : vector<16xi32>, vector<16xi1> -> vector<16xi32>
    %sub3A_69 = arith.subi %masked_cumsum3A_68, %get3A_65 : vector<16xi32>
    %add3A_70 = arith.constant 0 : i32
    %add3A_71 = vector.broadcast %add3A_70 : i32 to vector<16xi32>
    %add3A_72 = arith.addi %sub3A_69, %add3A_71 : vector<16xi32>
    %swap3A_73 = arith.constant 32 : index
    %swap3A_74 = tpu.vector_load %arg12[%swap3A_73] {strides = array<i32>} : memref<64xi32, #tpu.memory_space<vmem>>, vector<16xi32>,
    tpu.vector_store %arg12[%swap3A_73], %add3A_72 {strides = array<i32>} : memref<64xi32, #tpu.memory_space<vmem>>, vector<16xi32>,
    %reduce_sum3A_75 = arith.constant true
    %reduce_sum3A_76 = vector.broadcast %reduce_sum3A_75 : i1 to vector<16xi1>
    %reduce_sum3A_77 = tpu.scan <sum>, %get3A_65 masked %reduce_sum3A_76 : vector<16xi32>, vector<16xi1> -> vector<16xi32>
    %reduce_sum3A_78 = vector.extract %reduce_sum3A_77[15] : i32 from vector<16xi32>
    %add3A_79 = arith.constant 0 : i32
    %add3A_80 = arith.addi %add3A_79, %reduce_sum3A_78 : i32
    %get3A_81 = arith.constant 48 : index
    %get3A_82 = tpu.vector_load %arg11[%get3A_81] {strides = array<i32>} : memref<64xi32, #tpu.memory_space<vmem>>, vector<16xi32>,
    %broadcast_in_dim3A_83 = arith.constant true
    %broadcast_in_dim3A_84 = vector.broadcast %broadcast_in_dim3A_83 : i1 to vector<16xi1>
    %masked_cumsum3A_85 = tpu.scan <sum>, %get3A_82 masked %broadcast_in_dim3A_84 : vector<16xi32>, vector<16xi1> -> vector<16xi32>
    %sub3A_86 = arith.subi %masked_cumsum3A_85, %get3A_82 : vector<16xi32>
    %add3A_87 = vector.broadcast %add3A_80 : i32 to vector<16xi32>
    %add3A_88 = arith.addi %sub3A_86, %add3A_87 : vector<16xi32>
    %swap3A_89 = arith.constant 48 : index
    %swap3A_90 = tpu.vector_load %arg12[%swap3A_89] {strides = array<i32>} : memref<64xi32, #tpu.memory_space<vmem>>, vector<16xi32>,
    tpu.vector_store %arg12[%swap3A_89], %add3A_88 {strides = array<i32>} : memref<64xi32, #tpu.memory_space<vmem>>, vector<16xi32>,
    %reduce_sum3A_91 = arith.constant true
    %reduce_sum3A_92 = vector.broadcast %reduce_sum3A_91 : i1 to vector<16xi1>
    %reduce_sum3A_93 = tpu.scan <sum>, %get3A_82 masked %reduce_sum3A_92 : vector<16xi32>, vector<16xi1> -> vector<16xi32>
    %reduce_sum3A_94 = vector.extract %reduce_sum3A_93[15] : i32 from vector<16xi32>
    %add3A_95 = arith.addi %add3A_80, %reduce_sum3A_94 : i32
    %parallel_loop3A = arith.constant 0 : i32
    %parallel_loop3A_96 = arith.constant 512 : i32
    %parallel_loop3A_97 = arith.constant 1 : i32
    %parallel_loop3A_98 = arith.constant 0 : i32
    %parallel_loop3A_99 = scf.for %parallel_loop3A_111 = %parallel_loop3A to %parallel_loop3A_96 step %parallel_loop3A_97 iter_args(%parallel_loop3A_112 = %parallel_loop3A_98) -> (i32)  : i32 {
      %parallel_loop3A_113 = arith.constant 16 : i32
      %parallel_loop3A_114 = arith.muli %parallel_loop3A_111, %parallel_loop3A_113 : i32
      %parallel_loop3A_115 = arith.addi %mul3A_32, %parallel_loop3A_114 : i32
      %parallel_loop3A_116 = arith.constant 12288 : i32
      %parallel_loop3A_117 = arith.cmpi slt, %parallel_loop3A_115, %parallel_loop3A_116 : i32
      %parallel_loop3A_118 = arith.constant 0 : i32
      %parallel_loop3A_119 = arith.constant 32 : i32
      %parallel_loop3A_120 = arith.select %parallel_loop3A_117, %parallel_loop3A_118, %parallel_loop3A_119 : i32
      %parallel_loop3A_121 = vector.broadcast %parallel_loop3A_120 : i32 to vector<16xi32>
      %parallel_loop3A_122 = arith.constant 16 : i32
      %parallel_loop3A_123 = arith.muli %parallel_loop3A_111, %parallel_loop3A_122 : i32
      %parallel_loop3A_124 = arith.index_cast %parallel_loop3A_123 : i32 to index
      %parallel_loop3A_125 = tpu.vector_load %arg13[%parallel_loop3A_124] {strides = array<i32>} : memref<8192xi32, #tpu.memory_space<vmem>>, vector<16xi32>,
      %parallel_loop3A_126 = arith.constant 16 : i32
      %parallel_loop3A_127 = vector.broadcast %parallel_loop3A_126 : i32 to vector<16xi32>
      %parallel_loop3A_128 = arith.addi %parallel_loop3A_121, %parallel_loop3A_127 : vector<16xi32>
      %parallel_loop3A_129 = tpu.vector_load_idx %arg12[%parallel_loop3A_128] : memref<64xi32, #tpu.memory_space<vmem>>[vector<16xi32>], vector<16xi32>,
      %parallel_loop3A_130 = arith.cmpi sle, %parallel_loop3A_129, %parallel_loop3A_125 : vector<16xi32>
      %parallel_loop3A_131 = arith.select %parallel_loop3A_130, %parallel_loop3A_128, %parallel_loop3A_121 : vector<16xi1>, vector<16xi32>
      %parallel_loop3A_132 = arith.constant 8 : i32
      %parallel_loop3A_133 = vector.broadcast %parallel_loop3A_132 : i32 to vector<16xi32>
      %parallel_loop3A_134 = arith.addi %parallel_loop3A_131, %parallel_loop3A_133 : vector<16xi32>
      %parallel_loop3A_135 = tpu.vector_load_idx %arg12[%parallel_loop3A_134] : memref<64xi32, #tpu.memory_space<vmem>>[vector<16xi32>], vector<16xi32>,
      %parallel_loop3A_136 = arith.cmpi sle, %parallel_loop3A_135, %parallel_loop3A_125 : vector<16xi32>
      %parallel_loop3A_137 = arith.select %parallel_loop3A_136, %parallel_loop3A_134, %parallel_loop3A_131 : vector<16xi1>, vector<16xi32>
      %parallel_loop3A_138 = arith.constant 4 : i32
      %parallel_loop3A_139 = vector.broadcast %parallel_loop3A_138 : i32 to vector<16xi32>
      %parallel_loop3A_140 = arith.addi %parallel_loop3A_137, %parallel_loop3A_139 : vector<16xi32>
      %parallel_loop3A_141 = tpu.vector_load_idx %arg12[%parallel_loop3A_140] : memref<64xi32, #tpu.memory_space<vmem>>[vector<16xi32>], vector<16xi32>,
      %parallel_loop3A_142 = arith.cmpi sle, %parallel_loop3A_141, %parallel_loop3A_125 : vector<16xi32>
      %parallel_loop3A_143 = arith.select %parallel_loop3A_142, %parallel_loop3A_140, %parallel_loop3A_137 : vector<16xi1>, vector<16xi32>
      %parallel_loop3A_144 = arith.constant 2 : i32
      %parallel_loop3A_145 = vector.broadcast %parallel_loop3A_144 : i32 to vector<16xi32>
      %parallel_loop3A_146 = arith.addi %parallel_loop3A_143, %parallel_loop3A_145 : vector<16xi32>
      %parallel_loop3A_147 = tpu.vector_load_idx %arg12[%parallel_loop3A_146] : memref<64xi32, #tpu.memory_space<vmem>>[vector<16xi32>], vector<16xi32>,
      %parallel_loop3A_148 = arith.cmpi sle, %parallel_loop3A_147, %parallel_loop3A_125 : vector<16xi32>
      %parallel_loop3A_149 = arith.select %parallel_loop3A_148, %parallel_loop3A_146, %parallel_loop3A_143 : vector<16xi1>, vector<16xi32>
      %parallel_loop3A_150 = arith.constant 1 : i32
      %parallel_loop3A_151 = vector.broadcast %parallel_loop3A_150 : i32 to vector<16xi32>
      %parallel_loop3A_152 = arith.addi %parallel_loop3A_149, %parallel_loop3A_151 : vector<16xi32>
      %parallel_loop3A_153 = tpu.vector_load_idx %arg12[%parallel_loop3A_152] : memref<64xi32, #tpu.memory_space<vmem>>[vector<16xi32>], vector<16xi32>,
      %parallel_loop3A_154 = arith.cmpi sle, %parallel_loop3A_153, %parallel_loop3A_125 : vector<16xi32>
      %parallel_loop3A_155 = arith.select %parallel_loop3A_154, %parallel_loop3A_152, %parallel_loop3A_149 : vector<16xi1>, vector<16xi32>
      %parallel_loop3A_156 = tpu.vector_load_idx %arg12[%parallel_loop3A_155] : memref<64xi32, #tpu.memory_space<vmem>>[vector<16xi32>], vector<16xi32>,
      %parallel_loop3A_157 = arith.subi %parallel_loop3A_125, %parallel_loop3A_156 : vector<16xi32>
      %parallel_loop3A_158 = arith.subi %parallel_loop3A_155, %parallel_loop3A_121 : vector<16xi32>
      %parallel_loop3A_159 = vector.broadcast %parallel_loop3A_117 : i1 to vector<16xi1>
      %parallel_loop3A_160 = arith.constant 8191 : i32
      %parallel_loop3A_161 = vector.broadcast %parallel_loop3A_160 : i32 to vector<16xi32>
      %parallel_loop3A_162 = arith.subi %parallel_loop3A_161, %parallel_loop3A_157 : vector<16xi32>
      %parallel_loop3A_163 = arith.select %parallel_loop3A_159, %parallel_loop3A_157, %parallel_loop3A_162 : vector<16xi1>, vector<16xi32>
      %parallel_loop3A_164 = arith.constant 262144 : i32
      %parallel_loop3A_165 = arith.muli %select_n3A, %parallel_loop3A_164 : i32
      %parallel_loop3A_166 = vector.broadcast %parallel_loop3A_165 : i32 to vector<16xi32>
      %parallel_loop3A_167 = arith.constant 8192 : i32
      %parallel_loop3A_168 = vector.broadcast %parallel_loop3A_167 : i32 to vector<16xi32>
      %parallel_loop3A_169 = arith.muli %parallel_loop3A_158, %parallel_loop3A_168 : vector<16xi32>
      %parallel_loop3A_170 = arith.addi %parallel_loop3A_166, %parallel_loop3A_169 : vector<16xi32>
      %parallel_loop3A_171 = arith.addi %parallel_loop3A_170, %parallel_loop3A_163 : vector<16xi32>
      %parallel_loop3A_172 = arith.constant 16 : i32
      %parallel_loop3A_173 = arith.muli %parallel_loop3A_111, %parallel_loop3A_172 : i32
      %parallel_loop3A_174 = arith.index_cast %parallel_loop3A_173 : i32 to index
      %parallel_loop3A_175 = tpu.vector_load %arg14[%parallel_loop3A_174] {strides = array<i32>} : memref<8192xi32, #tpu.memory_space<vmem>>, vector<16xi32>,
      tpu.vector_store %arg14[%parallel_loop3A_174], %parallel_loop3A_171 {strides = array<i32>} : memref<8192xi32, #tpu.memory_space<vmem>>, vector<16xi32>,
      scf.yield %parallel_loop3A_112 : i32
    } {sc.loop_unroll_factor = 4 : i64, sc.parallel_access}
    %dma_start3A = arith.constant 0 : i32
    %dma_start3A_100 = tpu.memref_slice %arg2[%dma_start3A] : memref<4194304xi32, #tpu.memory_space<hbm>> -> memref<4194304xi32, #tpu.memory_space<hbm>>
    tpu.enqueue_indirect_dma source(%dma_start3A_100 : memref<4194304xi32, #tpu.memory_space<hbm>>) target(%arg15 : memref<8192xi32, #tpu.memory_space<vmem>>) offsets(%arg14 : memref<8192xi32, #tpu.memory_space<vmem>>) semaphore(%arg21 : memref<!tpu.dma_semaphore, #tpu.memory_space<semaphore_mem>>)
    %dma_wait3A = arith.constant 0 : i32
    %dma_wait3A_101 = tpu.memref_slice %arg2[%dma_wait3A] : memref<4194304xi32, #tpu.memory_space<hbm>> -> memref<4194304xi32, #tpu.memory_space<hbm>>
    tpu.wait_indirect_dma semaphore(%arg21 : memref<!tpu.dma_semaphore, #tpu.memory_space<semaphore_mem>>) src(%dma_wait3A_101 : memref<4194304xi32, #tpu.memory_space<hbm>>) dst(%arg15 : memref<8192xi32, #tpu.memory_space<vmem>>)
    %parallel_loop3A_102 = arith.constant 0 : i32
    %parallel_loop3A_103 = arith.constant 512 : i32
    %parallel_loop3A_104 = arith.constant 1 : i32
    %parallel_loop3A_105 = arith.constant 0 : i32
    %parallel_loop3A_106 = scf.for %parallel_loop3A_111 = %parallel_loop3A_102 to %parallel_loop3A_103 step %parallel_loop3A_104 iter_args(%parallel_loop3A_112 = %parallel_loop3A_105) -> (i32)  : i32 {
      %parallel_loop3A_113 = arith.constant 16 : i32
      %parallel_loop3A_114 = arith.muli %parallel_loop3A_111, %parallel_loop3A_113 : i32
      %parallel_loop3A_115 = arith.index_cast %parallel_loop3A_114 : i32 to index
      %parallel_loop3A_116 = tpu.vector_load %arg15[%parallel_loop3A_115] {strides = array<i32>} : memref<8192xi32, #tpu.memory_space<vmem>>, vector<16xi32>,
      %parallel_loop3A_117 = arith.constant 9 : i32
      %parallel_loop3A_118 = vector.broadcast %parallel_loop3A_117 : i32 to vector<16xi32>
      %parallel_loop3A_119 = arith.shrui %parallel_loop3A_116, %parallel_loop3A_118 : vector<16xi32>
      %parallel_loop3A_120 = arith.sitofp %parallel_loop3A_119 : vector<16xi32> to vector<16xf32>
      %parallel_loop3A_121 = arith.constant 511 : i32
      %parallel_loop3A_122 = vector.broadcast %parallel_loop3A_121 : i32 to vector<16xi32>
      %parallel_loop3A_123 = arith.andi %parallel_loop3A_116, %parallel_loop3A_122 : vector<16xi32>
      %parallel_loop3A_124 = arith.sitofp %parallel_loop3A_123 : vector<16xi32> to vector<16xf32>
      %parallel_loop3A_125 = arith.constant 16 : i32
      %parallel_loop3A_126 = arith.muli %parallel_loop3A_111, %parallel_loop3A_125 : i32
      %parallel_loop3A_127 = arith.index_cast %parallel_loop3A_126 : i32 to index
      %parallel_loop3A_128 = tpu.vector_load %arg17[%parallel_loop3A_127] {strides = array<i32>} : memref<8192xf32, #tpu.memory_space<vmem>>, vector<16xf32>,
      %parallel_loop3A_129 = arith.addf %parallel_loop3A_124, %parallel_loop3A_128 : vector<16xf32>
      %parallel_loop3A_130 = arith.constant 3.906250e-03 : f32
      %parallel_loop3A_131 = vector.broadcast %parallel_loop3A_130 : f32 to vector<16xf32>
      %parallel_loop3A_132 = arith.mulf %parallel_loop3A_129, %parallel_loop3A_131 : vector<16xf32>
      %parallel_loop3A_133 = arith.constant 1.000000e+00 : f32
      %parallel_loop3A_134 = vector.broadcast %parallel_loop3A_133 : f32 to vector<16xf32>
      %parallel_loop3A_135 = arith.subf %parallel_loop3A_132, %parallel_loop3A_134 : vector<16xf32>
      %parallel_loop3A_136 = arith.constant 16 : i32
      %parallel_loop3A_137 = arith.muli %parallel_loop3A_111, %parallel_loop3A_136 : i32
      %parallel_loop3A_138 = arith.index_cast %parallel_loop3A_137 : i32 to index
      %parallel_loop3A_139 = tpu.vector_load %arg16[%parallel_loop3A_138] {strides = array<i32>} : memref<8192xf32, #tpu.memory_space<vmem>>, vector<16xf32>,
      %parallel_loop3A_140 = arith.addf %parallel_loop3A_120, %parallel_loop3A_139 : vector<16xf32>
      %parallel_loop3A_141 = arith.constant 3.906250e-03 : f32
      %parallel_loop3A_142 = vector.broadcast %parallel_loop3A_141 : f32 to vector<16xf32>
      %parallel_loop3A_143 = arith.mulf %parallel_loop3A_140, %parallel_loop3A_142 : vector<16xf32>
      %parallel_loop3A_144 = arith.constant 1.000000e+00 : f32
      %parallel_loop3A_145 = vector.broadcast %parallel_loop3A_144 : f32 to vector<16xf32>
      %parallel_loop3A_146 = arith.subf %parallel_loop3A_143, %parallel_loop3A_145 : vector<16xf32>
      %parallel_loop3A_147 = arith.constant 16 : i32
      %parallel_loop3A_148 = arith.muli %parallel_loop3A_111, %parallel_loop3A_147 : i32
      %parallel_loop3A_149 = arith.index_cast %parallel_loop3A_148 : i32 to index
      %parallel_loop3A_150 = tpu.vector_load %arg18[%parallel_loop3A_149] {strides = array<i32>} : memref<8192xf32, #tpu.memory_space<vmem>>, vector<16xf32>,
      tpu.vector_store %arg18[%parallel_loop3A_149], %parallel_loop3A_135 {strides = array<i32>} : memref<8192xf32, #tpu.memory_space<vmem>>, vector<16xf32>,
      %parallel_loop3A_151 = arith.constant 16 : i32
      %parallel_loop3A_152 = arith.muli %parallel_loop3A_111, %parallel_loop3A_151 : i32
      %parallel_loop3A_153 = arith.index_cast %parallel_loop3A_152 : i32 to index
      %parallel_loop3A_154 = tpu.vector_load %arg19[%parallel_loop3A_153] {strides = array<i32>} : memref<8192xf32, #tpu.memory_space<vmem>>, vector<16xf32>,
      tpu.vector_store %arg19[%parallel_loop3A_153], %parallel_loop3A_146 {strides = array<i32>} : memref<8192xf32, #tpu.memory_space<vmem>>, vector<16xf32>,
      %parallel_loop3A_155 = arith.constant 16 : i32
      %parallel_loop3A_156 = arith.muli %parallel_loop3A_111, %parallel_loop3A_155 : i32
      %parallel_loop3A_157 = vector.broadcast %parallel_loop3A_156 : i32 to vector<16xi32>
      %parallel_loop3A_158 = arith.addi %parallel_loop3A_157, %iota3A : vector<16xi32>
      %parallel_loop3A_159 = arith.constant 2 : i32
      %parallel_loop3A_160 = vector.broadcast %parallel_loop3A_159 : i32 to vector<16xi32>
      %parallel_loop3A_161 = arith.muli %parallel_loop3A_158, %parallel_loop3A_160 : vector<16xi32>
      tpu.vector_store_idx %arg20[%parallel_loop3A_161], %parallel_loop3A_135 : memref<16384xf32, #tpu.memory_space<vmem>>[vector<16xi32>], vector<16xf32>,
      %parallel_loop3A_162 = arith.constant 2 : i32
      %parallel_loop3A_163 = vector.broadcast %parallel_loop3A_162 : i32 to vector<16xi32>
      %parallel_loop3A_164 = arith.muli %parallel_loop3A_158, %parallel_loop3A_163 : vector<16xi32>
      %parallel_loop3A_165 = arith.constant 1 : i32
      %parallel_loop3A_166 = vector.broadcast %parallel_loop3A_165 : i32 to vector<16xi32>
      %parallel_loop3A_167 = arith.addi %parallel_loop3A_164, %parallel_loop3A_166 : vector<16xi32>
      tpu.vector_store_idx %arg20[%parallel_loop3A_167], %parallel_loop3A_146 : memref<16384xf32, #tpu.memory_space<vmem>>[vector<16xi32>], vector<16xf32>,
      scf.yield %parallel_loop3A_112 : i32
    } {sc.loop_unroll_factor = 4 : i64, sc.parallel_access}
    %mul3A_107 = arith.constant 2 : i32
    %mul3A_108 = arith.muli %select_n3A_30, %mul3A_107 : i32
    %mul3A_109 = arith.constant 8192 : i32
    %mul3A_110 = arith.muli %mul3A_108, %mul3A_109 : i32
    "tpu.region"() ({
      %run_scoped3A = tpu.sem_alloc : memref<!tpu.dma_semaphore, #tpu.memory_space<semaphore_mem>>
      %dma_start3A_111 = tpu.memref_slice %arg8[%select_n3A, %mul3A_110] : memref<16x32768xf32, #tpu.memory_space<hbm>> -> memref<1x16384xf32, #tpu.memory_space<hbm>>
      %dma_start3A_112 = tpu.memref_squeeze %dma_start3A_111 : memref<1x16384xf32, #tpu.memory_space<hbm>> -> memref<16384xf32, #tpu.memory_space<hbm>>
      %dma_start3A_113 = tpu.memref_slice %arg8[%select_n3A, %mul3A_110] : memref<16x32768xf32, #tpu.memory_space<hbm>> -> memref<1x16384xf32, #tpu.memory_space<hbm>>
      %dma_start3A_114 = tpu.memref_squeeze %dma_start3A_113 : memref<1x16384xf32, #tpu.memory_space<hbm>> -> memref<16384xf32, #tpu.memory_space<hbm>>
      tpu.enqueue_dma source(%arg20 : memref<16384xf32, #tpu.memory_space<vmem>>) target(%dma_start3A_114 : memref<16384xf32, #tpu.memory_space<hbm>>) target_semaphore(%run_scoped3A : memref<!tpu.dma_semaphore, #tpu.memory_space<semaphore_mem>>)
      %dma_wait3A_115 = tpu.memref_slice %arg8[%select_n3A, %mul3A_110] : memref<16x32768xf32, #tpu.memory_space<hbm>> -> memref<1x16384xf32, #tpu.memory_space<hbm>>
      %dma_wait3A_116 = tpu.memref_squeeze %dma_wait3A_115 : memref<1x16384xf32, #tpu.memory_space<hbm>> -> memref<16384xf32, #tpu.memory_space<hbm>>
      %dma_wait3A_117 = tpu.memref_slice %arg8[%select_n3A, %mul3A_110] : memref<16x32768xf32, #tpu.memory_space<hbm>> -> memref<1x16384xf32, #tpu.memory_space<hbm>>
      %dma_wait3A_118 = tpu.memref_squeeze %dma_wait3A_117 : memref<1x16384xf32, #tpu.memory_space<hbm>> -> memref<16384xf32, #tpu.memory_space<hbm>>
      tpu.wait_dma2 semaphore(%run_scoped3A : memref<!tpu.dma_semaphore, #tpu.memory_space<semaphore_mem>>) src(%arg20 : memref<16384xf32, #tpu.memory_space<vmem>>) dst(%dma_wait3A_118 : memref<16384xf32, #tpu.memory_space<hbm>>)
      tpu.yield
    }) : () -> ()
    "tpu.region"() ({
      %run_scoped3A = tpu.sem_alloc : memref<!tpu.dma_semaphore, #tpu.memory_space<semaphore_mem>>
      %dma_start3A_111 = tpu.memref_slice %arg9[%select_n3A, %mul3A_32] : memref<16x16384xf32, #tpu.memory_space<hbm>> -> memref<1x8192xf32, #tpu.memory_space<hbm>>
      %dma_start3A_112 = tpu.memref_squeeze %dma_start3A_111 : memref<1x8192xf32, #tpu.memory_space<hbm>> -> memref<8192xf32, #tpu.memory_space<hbm>>
      %dma_start3A_113 = tpu.memref_slice %arg9[%select_n3A, %mul3A_32] : memref<16x16384xf32, #tpu.memory_space<hbm>> -> memref<1x8192xf32, #tpu.memory_space<hbm>>
      %dma_start3A_114 = tpu.memref_squeeze %dma_start3A_113 : memref<1x8192xf32, #tpu.memory_space<hbm>> -> memref<8192xf32, #tpu.memory_space<hbm>>
      tpu.enqueue_dma source(%arg18 : memref<8192xf32, #tpu.memory_space<vmem>>) target(%dma_start3A_114 : memref<8192xf32, #tpu.memory_space<hbm>>) target_semaphore(%run_scoped3A : memref<!tpu.dma_semaphore, #tpu.memory_space<semaphore_mem>>)
      %dma_wait3A_115 = tpu.memref_slice %arg9[%select_n3A, %mul3A_32] : memref<16x16384xf32, #tpu.memory_space<hbm>> -> memref<1x8192xf32, #tpu.memory_space<hbm>>
      %dma_wait3A_116 = tpu.memref_squeeze %dma_wait3A_115 : memref<1x8192xf32, #tpu.memory_space<hbm>> -> memref<8192xf32, #tpu.memory_space<hbm>>
      %dma_wait3A_117 = tpu.memref_slice %arg9[%select_n3A, %mul3A_32] : memref<16x16384xf32, #tpu.memory_space<hbm>> -> memref<1x8192xf32, #tpu.memory_space<hbm>>
      %dma_wait3A_118 = tpu.memref_squeeze %dma_wait3A_117 : memref<1x8192xf32, #tpu.memory_space<hbm>> -> memref<8192xf32, #tpu.memory_space<hbm>>
      tpu.wait_dma2 semaphore(%run_scoped3A : memref<!tpu.dma_semaphore, #tpu.memory_space<semaphore_mem>>) src(%arg18 : memref<8192xf32, #tpu.memory_space<vmem>>) dst(%dma_wait3A_118 : memref<8192xf32, #tpu.memory_space<hbm>>)
      tpu.yield
    }) : () -> ()
    "tpu.region"() ({
      %run_scoped3A = tpu.sem_alloc : memref<!tpu.dma_semaphore, #tpu.memory_space<semaphore_mem>>
      %dma_start3A_111 = tpu.memref_slice %arg10[%select_n3A, %mul3A_32] : memref<16x16384xf32, #tpu.memory_space<hbm>> -> memref<1x8192xf32, #tpu.memory_space<hbm>>
      %dma_start3A_112 = tpu.memref_squeeze %dma_start3A_111 : memref<1x8192xf32, #tpu.memory_space<hbm>> -> memref<8192xf32, #tpu.memory_space<hbm>>
      %dma_start3A_113 = tpu.memref_slice %arg10[%select_n3A, %mul3A_32] : memref<16x16384xf32, #tpu.memory_space<hbm>> -> memref<1x8192xf32, #tpu.memory_space<hbm>>
      %dma_start3A_114 = tpu.memref_squeeze %dma_start3A_113 : memref<1x8192xf32, #tpu.memory_space<hbm>> -> memref<8192xf32, #tpu.memory_space<hbm>>
      tpu.enqueue_dma source(%arg19 : memref<8192xf32, #tpu.memory_space<vmem>>) target(%dma_start3A_114 : memref<8192xf32, #tpu.memory_space<hbm>>) target_semaphore(%run_scoped3A : memref<!tpu.dma_semaphore, #tpu.memory_space<semaphore_mem>>)
      %dma_wait3A_115 = tpu.memref_slice %arg10[%select_n3A, %mul3A_32] : memref<16x16384xf32, #tpu.memory_space<hbm>> -> memref<1x8192xf32, #tpu.memory_space<hbm>>
      %dma_wait3A_116 = tpu.memref_squeeze %dma_wait3A_115 : memref<1x8192xf32, #tpu.memory_space<hbm>> -> memref<8192xf32, #tpu.memory_space<hbm>>
      %dma_wait3A_117 = tpu.memref_slice %arg10[%select_n3A, %mul3A_32] : memref<16x16384xf32, #tpu.memory_space<hbm>> -> memref<1x8192xf32, #tpu.memory_space<hbm>>
      %dma_wait3A_118 = tpu.memref_squeeze %dma_wait3A_117 : memref<1x8192xf32, #tpu.memory_space<hbm>> -> memref<8192xf32, #tpu.memory_space<hbm>>
      tpu.wait_dma2 semaphore(%run_scoped3A : memref<!tpu.dma_semaphore, #tpu.memory_space<semaphore_mem>>) src(%arg19 : memref<8192xf32, #tpu.memory_space<vmem>>) dst(%dma_wait3A_118 : memref<8192xf32, #tpu.memory_space<hbm>>)
      tpu.yield
    }) : () -> ()
    return
  }
}

module attributes {stable_mosaic.version = 14 : i64} {
  func.func @_tc_unproject_body(%arg0: i32, %arg1: i32, %arg2: memref<1x1x2048xf32, #tpu.memory_space<vmem>>, %arg3: memref<1x1x2048xf32, #tpu.memory_space<vmem>>, %arg4: memref<1x3x3xf32, #tpu.memory_space<smem>>, %arg5: memref<1x1x3xf32, #tpu.memory_space<smem>>, %arg6: memref<1x1x2xf32, #tpu.memory_space<smem>>, %arg7: memref<1x1x2xf32, #tpu.memory_space<smem>>, %arg8: memref<1x64xf32, #tpu.memory_space<vmem>>, %arg9: memref<1x1x3xf32, #tpu.memory_space<vmem>>, %arg10: memref<1x3x2048xf32, #tpu.memory_space<vmem>>, %arg11: memref<1x2048x64xf32, #tpu.memory_space<vmem>>) attributes {dimension_semantics = [#tpu.dimension_semantics<arbitrary>, #tpu.dimension_semantics<arbitrary>], iteration_bounds = array<i64: 16, 8>, scalar_prefetch = 0 : i64, scratch_operands = 0 : i64, tpu.core_type = #tpu.core_type<tc>, window_params = [{transform_indices = @transform_0, window_bounds = array<i64: 1, 1, 2048>}, {transform_indices = @transform_1, window_bounds = array<i64: 1, 1, 2048>}, {transform_indices = @transform_2, window_bounds = array<i64: 1, 3, 3>}, {transform_indices = @transform_3, window_bounds = array<i64: 1, 1, 3>}, {transform_indices = @transform_4, window_bounds = array<i64: 1, 1, 2>}, {transform_indices = @transform_5, window_bounds = array<i64: 1, 1, 2>}, {pipeline_mode = #tpu.pipeline_mode<synchronous>, transform_indices = @transform_6, window_bounds = array<i64: 1, 64>}, {transform_indices = @transform_7, window_bounds = array<i64: 1, 1, 3>}, {transform_indices = @transform_8, window_bounds = array<i64: 1, 3, 2048>}, {transform_indices = @transform_9, window_bounds = array<i64: 1, 2048, 64>}]} {
    %get3A = arith.constant 0 : index
    %get3A_0 = arith.constant 0 : index
    %get3A_1 = arith.constant 0 : index
    %get3A_2 = vector.load %arg2[%get3A, %get3A_0, %get3A_1] : memref<1x1x2048xf32, #tpu.memory_space<vmem>>, vector<1x1x2048xf32>
    %get3A_3 = vector.shape_cast %get3A_2 : vector<1x1x2048xf32> to vector<1x2048xf32>
    %get3A_4 = arith.constant 0 : index
    %get3A_5 = arith.constant 0 : index
    %get3A_6 = arith.constant 0 : index
    %get3A_7 = vector.load %arg3[%get3A_4, %get3A_5, %get3A_6] : memref<1x1x2048xf32, #tpu.memory_space<vmem>>, vector<1x1x2048xf32>
    %get3A_8 = vector.shape_cast %get3A_7 : vector<1x1x2048xf32> to vector<1x2048xf32>
    %get3A_9 = arith.constant 0 : index
    %get3A_10 = arith.constant 0 : index
    %get3A_11 = arith.constant 0 : index
    %get3A_12 = memref.load %arg6[%get3A_9, %get3A_10, %get3A_11] : memref<1x1x2xf32, #tpu.memory_space<smem>>
    %get3A_13 = arith.constant 0 : index
    %get3A_14 = arith.constant 0 : index
    %get3A_15 = arith.constant 1 : index
    %get3A_16 = memref.load %arg6[%get3A_13, %get3A_14, %get3A_15] : memref<1x1x2xf32, #tpu.memory_space<smem>>
    %get3A_17 = arith.constant 0 : index
    %get3A_18 = arith.constant 0 : index
    %get3A_19 = arith.constant 0 : index
    %get3A_20 = memref.load %arg7[%get3A_17, %get3A_18, %get3A_19] : memref<1x1x2xf32, #tpu.memory_space<smem>>
    %get3A_21 = arith.constant 0 : index
    %get3A_22 = arith.constant 0 : index
    %get3A_23 = arith.constant 1 : index
    %get3A_24 = memref.load %arg7[%get3A_21, %get3A_22, %get3A_23] : memref<1x1x2xf32, #tpu.memory_space<smem>>
    %neg3A = arith.constant 0.000000e+00 : f32
    %neg3A_25 = vector.broadcast %neg3A : f32 to vector<1x2048xf32>
    %neg3A_26 = arith.subf %neg3A_25, %get3A_3 : vector<1x2048xf32>
    %sub3A = vector.broadcast %get3A_20 : f32 to vector<1x2048xf32>
    %sub3A_27 = arith.subf %neg3A_26, %sub3A : vector<1x2048xf32>
    %div3A = vector.broadcast %get3A_12 : f32 to vector<1x2048xf32>
    %div3A_28 = arith.divf %sub3A_27, %div3A : vector<1x2048xf32>
    %neg3A_29 = arith.constant 0.000000e+00 : f32
    %neg3A_30 = vector.broadcast %neg3A_29 : f32 to vector<1x2048xf32>
    %neg3A_31 = arith.subf %neg3A_30, %get3A_8 : vector<1x2048xf32>
    %sub3A_32 = vector.broadcast %get3A_24 : f32 to vector<1x2048xf32>
    %sub3A_33 = arith.subf %neg3A_31, %sub3A_32 : vector<1x2048xf32>
    %div3A_34 = vector.broadcast %get3A_16 : f32 to vector<1x2048xf32>
    %div3A_35 = arith.divf %sub3A_33, %div3A_34 : vector<1x2048xf32>
    %get3A_36 = arith.constant 0 : index
    %get3A_37 = arith.constant 0 : index
    %get3A_38 = arith.constant 0 : index
    %get3A_39 = memref.load %arg4[%get3A_36, %get3A_37, %get3A_38] : memref<1x3x3xf32, #tpu.memory_space<smem>>
    %get3A_40 = arith.constant 0 : index
    %get3A_41 = arith.constant 0 : index
    %get3A_42 = arith.constant 1 : index
    %get3A_43 = memref.load %arg4[%get3A_40, %get3A_41, %get3A_42] : memref<1x3x3xf32, #tpu.memory_space<smem>>
    %get3A_44 = arith.constant 0 : index
    %get3A_45 = arith.constant 0 : index
    %get3A_46 = arith.constant 2 : index
    %get3A_47 = memref.load %arg4[%get3A_44, %get3A_45, %get3A_46] : memref<1x3x3xf32, #tpu.memory_space<smem>>
    %mul3A = vector.broadcast %get3A_39 : f32 to vector<1x2048xf32>
    %mul3A_48 = arith.mulf %div3A_28, %mul3A : vector<1x2048xf32>
    %mul3A_49 = vector.broadcast %get3A_43 : f32 to vector<1x2048xf32>
    %mul3A_50 = arith.mulf %div3A_35, %mul3A_49 : vector<1x2048xf32>
    %add3A = arith.addf %mul3A_48, %mul3A_50 : vector<1x2048xf32>
    %add3A_51 = vector.broadcast %get3A_47 : f32 to vector<1x2048xf32>
    %add3A_52 = arith.addf %add3A, %add3A_51 : vector<1x2048xf32>
    %get3A_53 = arith.constant 0 : index
    %get3A_54 = arith.constant 1 : index
    %get3A_55 = arith.constant 0 : index
    %get3A_56 = memref.load %arg4[%get3A_53, %get3A_54, %get3A_55] : memref<1x3x3xf32, #tpu.memory_space<smem>>
    %get3A_57 = arith.constant 0 : index
    %get3A_58 = arith.constant 1 : index
    %get3A_59 = arith.constant 1 : index
    %get3A_60 = memref.load %arg4[%get3A_57, %get3A_58, %get3A_59] : memref<1x3x3xf32, #tpu.memory_space<smem>>
    %get3A_61 = arith.constant 0 : index
    %get3A_62 = arith.constant 1 : index
    %get3A_63 = arith.constant 2 : index
    %get3A_64 = memref.load %arg4[%get3A_61, %get3A_62, %get3A_63] : memref<1x3x3xf32, #tpu.memory_space<smem>>
    %mul3A_65 = vector.broadcast %get3A_56 : f32 to vector<1x2048xf32>
    %mul3A_66 = arith.mulf %div3A_28, %mul3A_65 : vector<1x2048xf32>
    %mul3A_67 = vector.broadcast %get3A_60 : f32 to vector<1x2048xf32>
    %mul3A_68 = arith.mulf %div3A_35, %mul3A_67 : vector<1x2048xf32>
    %add3A_69 = arith.addf %mul3A_66, %mul3A_68 : vector<1x2048xf32>
    %add3A_70 = vector.broadcast %get3A_64 : f32 to vector<1x2048xf32>
    %add3A_71 = arith.addf %add3A_69, %add3A_70 : vector<1x2048xf32>
    %get3A_72 = arith.constant 0 : index
    %get3A_73 = arith.constant 2 : index
    %get3A_74 = arith.constant 0 : index
    %get3A_75 = memref.load %arg4[%get3A_72, %get3A_73, %get3A_74] : memref<1x3x3xf32, #tpu.memory_space<smem>>
    %get3A_76 = arith.constant 0 : index
    %get3A_77 = arith.constant 2 : index
    %get3A_78 = arith.constant 1 : index
    %get3A_79 = memref.load %arg4[%get3A_76, %get3A_77, %get3A_78] : memref<1x3x3xf32, #tpu.memory_space<smem>>
    %get3A_80 = arith.constant 0 : index
    %get3A_81 = arith.constant 2 : index
    %get3A_82 = arith.constant 2 : index
    %get3A_83 = memref.load %arg4[%get3A_80, %get3A_81, %get3A_82] : memref<1x3x3xf32, #tpu.memory_space<smem>>
    %mul3A_84 = vector.broadcast %get3A_75 : f32 to vector<1x2048xf32>
    %mul3A_85 = arith.mulf %div3A_28, %mul3A_84 : vector<1x2048xf32>
    %mul3A_86 = vector.broadcast %get3A_79 : f32 to vector<1x2048xf32>
    %mul3A_87 = arith.mulf %div3A_35, %mul3A_86 : vector<1x2048xf32>
    %add3A_88 = arith.addf %mul3A_85, %mul3A_87 : vector<1x2048xf32>
    %add3A_89 = vector.broadcast %get3A_83 : f32 to vector<1x2048xf32>
    %add3A_90 = arith.addf %add3A_88, %add3A_89 : vector<1x2048xf32>
    %mul3A_91 = arith.mulf %add3A_52, %add3A_52 : vector<1x2048xf32>
    %mul3A_92 = arith.mulf %add3A_71, %add3A_71 : vector<1x2048xf32>
    %add3A_93 = arith.addf %mul3A_91, %mul3A_92 : vector<1x2048xf32>
    %mul3A_94 = arith.mulf %add3A_90, %add3A_90 : vector<1x2048xf32>
    %add3A_95 = arith.addf %add3A_93, %mul3A_94 : vector<1x2048xf32>
    %sqrt3A = math.sqrt %add3A_95 : vector<1x2048xf32>
    %transpose3A = tpu.transpose %sqrt3A, [1, 0] : vector<1x2048xf32> -> vector<2048x1xf32>
    %get3A_96 = arith.constant 0 : index
    %get3A_97 = arith.constant 0 : index
    %get3A_98 = vector.load %arg8[%get3A_96, %get3A_97] : memref<1x64xf32, #tpu.memory_space<vmem>>, vector<1x64xf32>
    %mul3A_99 = vector.broadcast %transpose3A : vector<2048x1xf32> to vector<2048x64xf32>
    %mul3A_100 = vector.broadcast %get3A_98 : vector<1x64xf32> to vector<2048x64xf32>
    %mul3A_101 = arith.mulf %mul3A_99, %mul3A_100 : vector<2048x64xf32>
    %swap3A = arith.constant 0 : index
    %swap3A_102 = arith.constant 0 : index
    %swap3A_103 = arith.constant 0 : index
    %swap3A_104 = vector.load %arg11[%swap3A, %swap3A_102, %swap3A_103] : memref<1x2048x64xf32, #tpu.memory_space<vmem>>, vector<1x2048x64xf32>
    %swap3A_105 = vector.shape_cast %swap3A_104 : vector<1x2048x64xf32> to vector<2048x64xf32>
    %swap3A_106 = vector.shape_cast %mul3A_101 : vector<2048x64xf32> to vector<1x2048x64xf32>
    tpu.vector_store %arg11[%swap3A, %swap3A_102, %swap3A_103], %swap3A_106 {strides = array<i32>} : memref<1x2048x64xf32, #tpu.memory_space<vmem>>, vector<1x2048x64xf32>,
    %concatenate3A = tpu.concatenate %add3A_52, %add3A_71, %add3A_90 in 0 : vector<1x2048xf32>, vector<1x2048xf32>, vector<1x2048xf32> -> vector<3x2048xf32>
    %swap3A_107 = arith.constant 0 : index
    %swap3A_108 = arith.constant 0 : index
    %swap3A_109 = arith.constant 0 : index
    %swap3A_110 = vector.load %arg10[%swap3A_107, %swap3A_108, %swap3A_109] : memref<1x3x2048xf32, #tpu.memory_space<vmem>>, vector<1x3x2048xf32>
    %swap3A_111 = vector.shape_cast %swap3A_110 : vector<1x3x2048xf32> to vector<3x2048xf32>
    %swap3A_112 = vector.shape_cast %concatenate3A : vector<3x2048xf32> to vector<1x3x2048xf32>
    tpu.vector_store %arg10[%swap3A_107, %swap3A_108, %swap3A_109], %swap3A_112 {strides = array<i32>} : memref<1x3x2048xf32, #tpu.memory_space<vmem>>, vector<1x3x2048xf32>,
    %get3A_113 = arith.constant 0 : index
    %get3A_114 = arith.constant 0 : index
    %get3A_115 = arith.constant 0 : index
    %get3A_116 = memref.load %arg5[%get3A_113, %get3A_114, %get3A_115] : memref<1x1x3xf32, #tpu.memory_space<smem>>
    %get3A_117 = arith.constant 0 : index
    %get3A_118 = arith.constant 0 : index
    %get3A_119 = arith.constant 0 : index
    %get3A_120 = memref.load %arg4[%get3A_117, %get3A_118, %get3A_119] : memref<1x3x3xf32, #tpu.memory_space<smem>>
    %mul3A_121 = arith.mulf %get3A_116, %get3A_120 : f32
    %get3A_122 = arith.constant 0 : index
    %get3A_123 = arith.constant 0 : index
    %get3A_124 = arith.constant 1 : index
    %get3A_125 = memref.load %arg5[%get3A_122, %get3A_123, %get3A_124] : memref<1x1x3xf32, #tpu.memory_space<smem>>
    %get3A_126 = arith.constant 0 : index
    %get3A_127 = arith.constant 0 : index
    %get3A_128 = arith.constant 1 : index
    %get3A_129 = memref.load %arg4[%get3A_126, %get3A_127, %get3A_128] : memref<1x3x3xf32, #tpu.memory_space<smem>>
    %mul3A_130 = arith.mulf %get3A_125, %get3A_129 : f32
    %add3A_131 = arith.addf %mul3A_121, %mul3A_130 : f32
    %get3A_132 = arith.constant 0 : index
    %get3A_133 = arith.constant 0 : index
    %get3A_134 = arith.constant 2 : index
    %get3A_135 = memref.load %arg5[%get3A_132, %get3A_133, %get3A_134] : memref<1x1x3xf32, #tpu.memory_space<smem>>
    %get3A_136 = arith.constant 0 : index
    %get3A_137 = arith.constant 0 : index
    %get3A_138 = arith.constant 2 : index
    %get3A_139 = memref.load %arg4[%get3A_136, %get3A_137, %get3A_138] : memref<1x3x3xf32, #tpu.memory_space<smem>>
    %mul3A_140 = arith.mulf %get3A_135, %get3A_139 : f32
    %add3A_141 = arith.addf %add3A_131, %mul3A_140 : f32
    %neg3A_142 = arith.constant 0.000000e+00 : f32
    %neg3A_143 = arith.subf %neg3A_142, %add3A_141 : f32
    %broadcast_in_dim3A = vector.broadcast %neg3A_143 : f32 to vector<1x1x1xf32>
    %get3A_144 = arith.constant 0 : index
    %get3A_145 = arith.constant 0 : index
    %get3A_146 = arith.constant 0 : index
    %get3A_147 = memref.load %arg5[%get3A_144, %get3A_145, %get3A_146] : memref<1x1x3xf32, #tpu.memory_space<smem>>
    %get3A_148 = arith.constant 0 : index
    %get3A_149 = arith.constant 1 : index
    %get3A_150 = arith.constant 0 : index
    %get3A_151 = memref.load %arg4[%get3A_148, %get3A_149, %get3A_150] : memref<1x3x3xf32, #tpu.memory_space<smem>>
    %mul3A_152 = arith.mulf %get3A_147, %get3A_151 : f32
    %get3A_153 = arith.constant 0 : index
    %get3A_154 = arith.constant 0 : index
    %get3A_155 = arith.constant 1 : index
    %get3A_156 = memref.load %arg5[%get3A_153, %get3A_154, %get3A_155] : memref<1x1x3xf32, #tpu.memory_space<smem>>
    %get3A_157 = arith.constant 0 : index
    %get3A_158 = arith.constant 1 : index
    %get3A_159 = arith.constant 1 : index
    %get3A_160 = memref.load %arg4[%get3A_157, %get3A_158, %get3A_159] : memref<1x3x3xf32, #tpu.memory_space<smem>>
    %mul3A_161 = arith.mulf %get3A_156, %get3A_160 : f32
    %add3A_162 = arith.addf %mul3A_152, %mul3A_161 : f32
    %get3A_163 = arith.constant 0 : index
    %get3A_164 = arith.constant 0 : index
    %get3A_165 = arith.constant 2 : index
    %get3A_166 = memref.load %arg5[%get3A_163, %get3A_164, %get3A_165] : memref<1x1x3xf32, #tpu.memory_space<smem>>
    %get3A_167 = arith.constant 0 : index
    %get3A_168 = arith.constant 1 : index
    %get3A_169 = arith.constant 2 : index
    %get3A_170 = memref.load %arg4[%get3A_167, %get3A_168, %get3A_169] : memref<1x3x3xf32, #tpu.memory_space<smem>>
    %mul3A_171 = arith.mulf %get3A_166, %get3A_170 : f32
    %add3A_172 = arith.addf %add3A_162, %mul3A_171 : f32
    %neg3A_173 = arith.constant 0.000000e+00 : f32
    %neg3A_174 = arith.subf %neg3A_173, %add3A_172 : f32
    %broadcast_in_dim3A_175 = vector.broadcast %neg3A_174 : f32 to vector<1x1x1xf32>
    %get3A_176 = arith.constant 0 : index
    %get3A_177 = arith.constant 0 : index
    %get3A_178 = arith.constant 0 : index
    %get3A_179 = memref.load %arg5[%get3A_176, %get3A_177, %get3A_178] : memref<1x1x3xf32, #tpu.memory_space<smem>>
    %get3A_180 = arith.constant 0 : index
    %get3A_181 = arith.constant 2 : index
    %get3A_182 = arith.constant 0 : index
    %get3A_183 = memref.load %arg4[%get3A_180, %get3A_181, %get3A_182] : memref<1x3x3xf32, #tpu.memory_space<smem>>
    %mul3A_184 = arith.mulf %get3A_179, %get3A_183 : f32
    %get3A_185 = arith.constant 0 : index
    %get3A_186 = arith.constant 0 : index
    %get3A_187 = arith.constant 1 : index
    %get3A_188 = memref.load %arg5[%get3A_185, %get3A_186, %get3A_187] : memref<1x1x3xf32, #tpu.memory_space<smem>>
    %get3A_189 = arith.constant 0 : index
    %get3A_190 = arith.constant 2 : index
    %get3A_191 = arith.constant 1 : index
    %get3A_192 = memref.load %arg4[%get3A_189, %get3A_190, %get3A_191] : memref<1x3x3xf32, #tpu.memory_space<smem>>
    %mul3A_193 = arith.mulf %get3A_188, %get3A_192 : f32
    %add3A_194 = arith.addf %mul3A_184, %mul3A_193 : f32
    %get3A_195 = arith.constant 0 : index
    %get3A_196 = arith.constant 0 : index
    %get3A_197 = arith.constant 2 : index
    %get3A_198 = memref.load %arg5[%get3A_195, %get3A_196, %get3A_197] : memref<1x1x3xf32, #tpu.memory_space<smem>>
    %get3A_199 = arith.constant 0 : index
    %get3A_200 = arith.constant 2 : index
    %get3A_201 = arith.constant 2 : index
    %get3A_202 = memref.load %arg4[%get3A_199, %get3A_200, %get3A_201] : memref<1x3x3xf32, #tpu.memory_space<smem>>
    %mul3A_203 = arith.mulf %get3A_198, %get3A_202 : f32
    %add3A_204 = arith.addf %add3A_194, %mul3A_203 : f32
    %neg3A_205 = arith.constant 0.000000e+00 : f32
    %neg3A_206 = arith.subf %neg3A_205, %add3A_204 : f32
    %broadcast_in_dim3A_207 = vector.broadcast %neg3A_206 : f32 to vector<1x1x1xf32>
    %concatenate3A_208 = tpu.concatenate %broadcast_in_dim3A, %broadcast_in_dim3A_175, %broadcast_in_dim3A_207 in 2 : vector<1x1x1xf32>, vector<1x1x1xf32>, vector<1x1x1xf32> -> vector<1x1x3xf32>
    %swap3A_209 = arith.constant 0 : index
    %swap3A_210 = arith.constant 0 : index
    %swap3A_211 = arith.constant 0 : index
    %swap3A_212 = vector.load %arg9[%swap3A_209, %swap3A_210, %swap3A_211] : memref<1x1x3xf32, #tpu.memory_space<vmem>>, vector<1x1x3xf32>
    tpu.vector_store %arg9[%swap3A_209, %swap3A_210, %swap3A_211], %concatenate3A_208 {strides = array<i32>} : memref<1x1x3xf32, #tpu.memory_space<vmem>>, vector<1x1x3xf32>,
    return
  }
  func.func @transform_0(%arg0: i32, %arg1: i32) -> (i32, i32, i32) {
    %c0_i32 = arith.constant 0 : i32
    %c0_i32_0 = arith.constant 0 : i32
    return %arg0, %c0_i32, %arg1 : i32, i32, i32
  }
  func.func @transform_1(%arg0: i32, %arg1: i32) -> (i32, i32, i32) {
    %c0_i32 = arith.constant 0 : i32
    %c0_i32_0 = arith.constant 0 : i32
    return %arg0, %c0_i32, %arg1 : i32, i32, i32
  }
  func.func @transform_2(%arg0: i32, %arg1: i32) -> (i32, i32, i32) {
    %c0_i32 = arith.constant 0 : i32
    %c0_i32_0 = arith.constant 0 : i32
    %c0_i32_1 = arith.constant 0 : i32
    return %arg0, %c0_i32, %c0_i32_0 : i32, i32, i32
  }
  func.func @transform_3(%arg0: i32, %arg1: i32) -> (i32, i32, i32) {
    %c0_i32 = arith.constant 0 : i32
    %c0_i32_0 = arith.constant 0 : i32
    %c0_i32_1 = arith.constant 0 : i32
    return %arg0, %c0_i32, %c0_i32_0 : i32, i32, i32
  }
  func.func @transform_4(%arg0: i32, %arg1: i32) -> (i32, i32, i32) {
    %c0_i32 = arith.constant 0 : i32
    %c0_i32_0 = arith.constant 0 : i32
    %c0_i32_1 = arith.constant 0 : i32
    return %arg0, %c0_i32, %c0_i32_0 : i32, i32, i32
  }
  func.func @transform_5(%arg0: i32, %arg1: i32) -> (i32, i32, i32) {
    %c0_i32 = arith.constant 0 : i32
    %c0_i32_0 = arith.constant 0 : i32
    %c0_i32_1 = arith.constant 0 : i32
    return %arg0, %c0_i32, %c0_i32_0 : i32, i32, i32
  }
  func.func @transform_6(%arg0: i32, %arg1: i32) -> (i32, i32) {
    %c0_i32 = arith.constant 0 : i32
    %c0_i32_0 = arith.constant 0 : i32
    %c0_i32_1 = arith.constant 0 : i32
    return %c0_i32, %c0_i32_0 : i32, i32
  }
  func.func @transform_7(%arg0: i32, %arg1: i32) -> (i32, i32, i32) {
    %c0_i32 = arith.constant 0 : i32
    %c0_i32_0 = arith.constant 0 : i32
    %c0_i32_1 = arith.constant 0 : i32
    return %arg0, %c0_i32, %c0_i32_0 : i32, i32, i32
  }
  func.func @transform_8(%arg0: i32, %arg1: i32) -> (i32, i32, i32) {
    %c0_i32 = arith.constant 0 : i32
    %c0_i32_0 = arith.constant 0 : i32
    return %arg0, %c0_i32, %arg1 : i32, i32, i32
  }
  func.func @transform_9(%arg0: i32, %arg1: i32) -> (i32, i32, i32) {
    %c0_i32 = arith.constant 0 : i32
    %c0_i32_0 = arith.constant 0 : i32
    return %arg0, %arg1, %c0_i32 : i32, i32, i32
  }
}

</mosaic_0001>

<sc_bundles>
// kernel: kernel.5.cloned.1.call-start
scs
__scs_entry_jumppad:
0x0: {  	(pc) =	sbr.rel $0x88, $3  }
0x1: {  	(tag) =	ssettag $0x0;
	lr =	simm.s32 $0x1  }
0x2: {  	[smem:$0x3F9C] =	sst lr;
	_ =	strace $0xD0000000  }
0x3: {  	_ = 	snop  }
0x4: {  	_ = 	snop  }
0x5: {  	_ = 	snop  }
0x6: {  	_ = 	snop  }
0x7: {  	_ = 	snop  }
__scs_overlays_trampoline_lowered:
0x8: {  	[smem:$0x3FAB] =	sst s0  }
0x9: {  	[smem:$0x3FAC] =	sst s1  }
0xa: {  	[smem:$0x3FAD] =	sst s2  }
0xb: {  	[smem:$0x3FAE] =	sst s3  }
0xc: {  	[smem:$0x3FAF] =	sst s4  }
0xd: {  	[smem:$0x3FB0] =	sst s5  }
0xe: {  	[smem:$0x3FB1] =	sst s6  }
0xf: {  	[smem:$0x3FB2] =	sst s7  }
0x10: {  	[smem:$0x3FB3] =	sst s8  }
0x11: {  	[smem:$0x3FB4] =	sst s9;
	s0 =	simm.s32 @!p0 $0x0  }
0x12: {  	s1 =	sld [smem:$0x3F9A];
	s0 =	simm.s32 @p0 $0x1  }
0x13: {  	[smem:$0x3FB5] =	sst s0;
	s0 =	simm.s32 @!p1 $0x0  }
0x14: {  	s2 =	sld [smem:$0x3F99];
	s0 =	simm.s32 @p1 $0x1  }
0x15: {  	[smem:$0x3FB6] =	sst s0;
	s0 =	simm.s32 @!p2 $0x0  }
0x16: {  	s3 =	sld [smem:$0x3FDB];
	s0 =	simm.s32 @p2 $0x1  }
0x17: {  	s4 =	simm.s32 $0x1BF5;
	[smem:$0x3FB8] =	sst s0  }
0x18: {  	s0 =	sld [smem:$0x3F9B];
	_ =	swait.ge [sflag:s4], $0x0  }
0x19: {  	s7 =	sld [smem:$0x3F9C]  }
0x1a: {  	s8 =	sadd.s32 $0xFFFFE003, lr  }
0x1b: {  	s9 =	sadd.s32 $0xFFFFFEF7, lr;
	s5 =	simm.s32 $0xFFFFFFFF;
	p2 =	slt.u32 s8, $0xFFFFF086  }
0x1c: {  	p1 =	slt.u32 s9, $0xF7A;
	s5 =	simm.s32 @!p2 $0x0  }
0x1d: {  	s5 =	simm.s32 @p1 $0x1;
	p0 =	seq.s32 s7, s2  }
0x1e: {  	s7 =	smul.u32 @!p0 $0xF7A, s2;
	p2 =	seq.s32 @!p0 s5, $0x0  }
0x1f: {  	s9 =	smul.u32 $0xF7A, s1;
	s8 =	simm.s32 @!p0 $0x1BF5;
	p2 =	por !p2, p0  }
0x20: {  	[sflag:s8] =	ssyncset.s32 @!p0 $0xFFFFF086;
	s6 =	sadd.s32 @!p0 s3, s7;
	s7 =	simm.s32 @!p0 $0x108  }
0x21: {  	s3 =	sadd.s32 s3, s9;
	s6 =	sadd.s32 @!p0 $0x88, s6;
	s7 =	simm.s32 @p2 $0x1082  }
0x22: {  	[simem:s7], [sflag:s8] =	dma.local @!p0 [hbm:s6], $0xF7A  }
0x23: {  	s9 =	sor.u32 $0xD0000000, s2;
	s6 =	simm.s32 $0x108;
	_ =	swait.ge @!p0 [sflag:s8], $0x0  }
0x24: {  	s3 =	sadd.s32 $0x88, s3;
	s6 =	simm.s32 @!p1 $0x1082;
	[sflag:s4] =	ssyncset.s32 $0xFFFFF086  }
0x25: {  	[simem:s6], [sflag:s4] =	dma.local [hbm:s3], $0xF7A  }
0x26: {  	[smem:$0x3F9C] =	sst s1;
	(tag) =	ssettag s2;
	_ =	strace s9  }
0x27: {  	s1 =	sld [smem:$0x3FAC]  }
0x28: {  	s2 =	sld [smem:$0x3FAD]  }
0x29: {  	s4 =	sld [smem:$0x3FAF]  }
0x2a: {  	p0 =	seq.s32 s5, $0x0;
	s5 =	sld [smem:$0x3FB0]  }
0x2b: {  	s6 =	sld [smem:$0x3FB1]  }
0x2c: {  	s7 =	sld [smem:$0x3FB2]  }
0x2d: {  	s3 =	simm.s32 $0x108;
	s8 =	sld [smem:$0x3FB3]  }
0x2e: {  	s3 =	simm.s32 @!p0 $0x1082;
	s9 =	sld [smem:$0x3FB4]  }
0x2f: {  	lr =	sadd.s32 s0, s3;
	s0 =	sld [smem:$0x3FAB]  }
0x30: {  	s3 =	sld [smem:$0x3FAE]  }
0x31: {  	[smem:$0x3FB7] =	sst s10  }
0x32: {  	s10 =	sld [smem:$0x3FB5];
	_ =	sdelay $0x3  }
0x33: {  	p0 =	seq.s32 s10, $0x1;
	s10 =	sld [smem:$0x3FB7];
	_ =	sdelay $0x3  }
0x34: {  	[smem:$0x3FB7] =	sst s10  }
0x35: {  	s10 =	sld [smem:$0x3FB6];
	_ =	sdelay $0x3  }
0x36: {  	p1 =	seq.s32 s10, $0x1;
	s10 =	sld [smem:$0x3FB7];
	_ =	sdelay $0x3  }
0x37: {  	[smem:$0x3FB7] =	sst s10  }
0x38: {  	s10 =	sld [smem:$0x3FB8]  }
0x39: {  	_ = 	snop;
	(pc) =	sbr.ind lr, $3  }
0x3a: {  	_ = 	snop  }
0x3b: {  	_ = 	snop  }
0x3c: {  	p2 =	seq.s32 s10, $0x1;
	s10 =	sld [smem:$0x3FB7]  }
0x3d: {  	_ =	shalt  }
0x3e: {  	_ =	shalt  }
0x3f: {  	_ =	shalt  }
0x40: {  	_ =	shalt  }
0x41: {  	_ =	shalt  }
0x42: {  	_ =	shalt  }
0x43: {  	_ =	shalt  }
0x44: {  	_ =	shalt  }
0x45: {  	_ =	shalt  }
0x46: {  	_ =	shalt  }
0x47: {  	_ =	shalt  }
0x48: {  	_ =	shalt  }
0x49: {  	_ =	shalt  }
0x4a: {  	_ =	shalt  }
0x4b: {  	_ =	shalt  }
0x4c: {  	_ =	shalt  }
0x4d: {  	_ =	shalt  }
0x4e: {  	_ =	shalt  }
0x4f: {  	_ =	shalt  }
0x50: {  	_ =	shalt  }
0x51: {  	_ =	shalt  }
0x52: {  	_ =	shalt  }
0x53: {  	_ =	shalt  }
0x54: {  	_ =	shalt  }
0x55: {  	_ =	shalt  }
0x56: {  	_ =	shalt  }
0x57: {  	_ =	shalt  }
0x58: {  	_ =	shalt  }
0x59: {  	_ =	shalt  }
0x5a: {  	_ =	shalt  }
0x5b: {  	_ =	shalt  }
0x5c: {  	_ =	shalt  }
0x5d: {  	_ =	shalt  }
0x5e: {  	_ =	shalt  }
0x5f: {  	_ =	shalt  }
0x60: {  	_ =	shalt  }
0x61: {  	_ =	shalt  }
0x62: {  	_ =	shalt  }
0x63: {  	_ =	shalt  }
0x64: {  	_ =	shalt  }
0x65: {  	_ =	shalt  }
0x66: {  	_ =	shalt  }
0x67: {  	_ =	shalt  }
0x68: {  	_ =	shalt  }
0x69: {  	_ =	shalt  }
0x6a: {  	_ =	shalt  }
0x6b: {  	_ =	shalt  }
0x6c: {  	_ =	shalt  }
0x6d: {  	_ =	shalt  }
0x6e: {  	_ =	shalt  }
0x6f: {  	_ =	shalt  }
0x70: {  	_ =	shalt  }
0x71: {  	_ =	shalt  }
0x72: {  	_ =	shalt  }
0x73: {  	_ =	shalt  }
0x74: {  	_ =	shalt  }
0x75: {  	_ =	shalt  }
0x76: {  	_ =	shalt  }
0x77: {  	_ =	shalt  }
0x78: {  	_ =	shalt  }
0x79: {  	_ =	shalt  }
0x7a: {  	_ =	shalt  }
0x7b: {  	_ =	shalt  }
0x7c: {  	_ =	shalt  }
0x7d: {  	_ =	shalt  }
0x7e: {  	_ =	shalt  }
0x7f: {  	_ =	shalt  }
0x80: {  	_ =	shalt  }
0x81: {  	_ =	shalt  }
0x82: {  	_ =	shalt  }
0x83: {  	_ =	shalt  }
0x84: {  	_ =	shalt  }
0x85: {  	_ =	shalt  }
0x86: {  	_ =	shalt  }
0x87: {  	_ =	shalt  }
.Lfunc_end0:
.L_simem_size_0:
called_computation_lowered:
.L_overlay_start_0:
0x88: {  	s2 =	sld [smem:$0x3FD9]  }
0x89: {  	s3 =	sld [smem:$0x3FFE];
	_ =	sdelay $0x1  }
0x8a: {  	s1 =	srdreg.scid  }
0x8b: {  	s0 =	sand.u32 $0x1, s1  }
0x8c: {  	s14 =	sshll.u32 s0, $0xA;
	s2 =	sadd.s32 s3, s2  }
0x8d: {  	s2 =	sadd.s32 s2, s14  }
0x8e: {  	[smem:$0x3FC3] =	sst s2  }
0x8f: {  	_ = 	snop  }
0x90: {  	s2 =	sld [smem:$0x3FD0];
	_ =	sdelay $0x2  }
0x91: {  	s15 =	simm.s32 $0xA;
	s4 =	simm.s32 $0x10  }
0x92: {  	[smem:s4], [sflag:s15] =	dma.local [hbm:s2], $0x1  }
0x93: {  	_ =	swait.eq [sflag:s15], $0x1  }
0x94: {  	[sflag:s15] =	ssyncset.done $0x0  }
0x95: {  	[sflag:s15] =	ssyncadd.s32 $0xFFFFFFFF  }
0x96: {  	s16 =	sld [smem:$0x12];
	(tm) =	ssettm $0x1  }
0x97: {  	s17 =	sld [smem:$0x3FFB];
	_ =	sdelay $0x3  }
0x98: {  	_ =	strace s17  }
0x99: {  	s3 =	sld [smem:$0x3FFC];
	_ =	sdelay $0x3  }
0x9a: {  	_ =	strace s3  }
0x9b: {  	s3 =	sld [smem:$0x3FFD];
	_ =	sdelay $0x3  }
0x9c: {  	_ =	strace s3  }
0x9d: {  	_ =	strace $0x8FFFFFFF  }
0x9e: {  	s18 =	sld [smem:$0x3FDB];
	_ =	sdelay $0x1  }
0x9f: {  	s19 =	simm.s32 $_scs_section_size  }
0xa0: {  	s5 =	simm.s32 $_size__tile_overlayer_lowered;
	s6 =	simm.s32 $_tile_overlayer_lowered  }
0xa1: {  	s22 =	simm.s32 $0x1BFF;
	s21 =	sshll.u32 s6, $0x1;
	s3 =	sadd.s32 s19, s18  }
0xa2: {  	s7 =	simm.s32 $0x0;
	s20 =	sshll.u32 s5, $0x1;
	s5 =	sadd.s32 s21, s3  }
0xa3: {  	[timem:s7], [sflag:s22] =	dma.local [hbm:s5], s20  }
0xa4: {  	_ =	swait.ge [sflag:s22], s20  }
0xa5: {  	s4 =	ssub.s32 $0x0, s20;
	[sflag:s22] =	ssyncset.done $0x0  }
0xa6: {  	[sflag:s22] =	ssyncadd.s32 s4;
	_ =	sdelay $0x1  }
0xa7: {  	s23 =	simm.s32 $0x1B8B  }
0xa8: {  	_ =	swait.ge [sflag:s23], $0x1  }
0xa9: {  	[sflag:s23] =	ssyncset.done $0x0  }
0xaa: {  	s25 =	simm.s32 $0x1B8E;
	s24 =	sld [smem:$0x3FFE];
	[sflag:s23] =	ssyncadd.s32 $0xFFFFFFFF  }
0xab: {  	s26 =	simm.s32 $execute0_lowered;
	[smem:$0x3FD2] =	sst s25  }
0xac: {  	s5 =	sshll.u32 s26, $0x1;
	_ =	strace $0x80000046;
	[dreg:$0x1] =	wrdreg $0xFFFFFFFF  }
0xad: {  	s28 =	simm.s32 $_size_execute0_lowered;
	s3 =	sadd.s32 s3, s5;
	[dreg:$0x0] =	wrdreg $0x0  }
0xae: {  	s5 =	sshll.u32 s28, $0x1;
	[dreg:$0x2] =	wrdreg s3  }
0xaf: {  	[dreg:$0x3] =	wrdreg s5  }
0xb0: {  	[dreg:$0x4] =	wrdreg $0xC0  }
0xb1: {  	_ =	task [dreg:s7], $0x5FFFF  }
0xb2: {  	[dreg:$0x1] =	wrdreg $0xFFFFFFFF  }
0xb3: {  	[dreg:$0x0] =	wrdreg $0x60  }
0xb4: {  	[dreg:$0x2] =	wrdreg s16  }
0xb5: {  	[dreg:$0x3] =	wrdreg s24  }
0xb6: {  	[dreg:$0x4] =	wrdreg $0x9  }
0xb7: {  	_ =	task.clear_ibuf [dreg:s7], $0x5FFFF;
	_ =	strace $0x90000046  }
0xb8: {  	s29 =	simm.s32 $0x9;
	_ =	strace $0x80000048  }
0xb9: {  	_ =	swait.ge [sflag:s29], $0x1  }
0xba: {  	[sflag:s29] =	ssyncadd.s32 $0xFFFFFFFF  }
0xbb: {  	_ =	strace $0x90000048  }
0xbc: {  	_ =	sfence  }
0xbd: {  	s30 =	sld [smem:$0x0];
	_ =	sdelay $0x2  }
0xbe: {  	s31 =	sshll.u32 s1, $0xD;
	s1 =	sshrl.u32 s1, $0x2  }
0xbf: {  	s3 =	sand.u32 $0x4000, s31;
	s1 =	sadd.s32 s1, s30  }
0xc0: {  	s0 =	sor.u32 s3, s0;
	s1 =	sshll.u32 s1, $0x11  }
0xc1: {  	s0 =	sor.u32 s1, s0  }
0xc2: {  	s0 =	sadd.s32 $0x8F2B, s0  }
0xc3: {  	[sflag:s0] =	ssyncadd.remote.s32 $0x1  }
0xc4: {  	_ =	sfence.sel $0xFFFF  }
0xc5: {  	[dreg:$0x0] =	wrdreg $0xFFFFFFFF;
	(pc) =	sbr.abs _section_cstart, $3  }
0xc6: {  	[dreg:$0x1] =	wrdreg $0xFFFFFFFF  }
0xc7: {  	_ =	task.clear_ibuf [dreg:s7], $0x2FFFF;
	_ =	strace $0x9FFFFFFF  }
0xc8: {  	(tm) =	ssettm $0x7FFFFFFF  }
0xc9: {  	_ =	shalt  }
tec
execute0_lowered:
.L_overlay_start_1:
0x0: {  	(tag) =	ssettag $0x1  }
0x1: {  	s1 =	srdreg.scid  }
0x2: {  	s0 =	stileid.u32;
	s6 =	sand.u32 $0x1, s1  }
0x3: {  	s10 =	rddreg [dreg:$0x0];
	s2 =	simm.s32 $0x1;
	s1 =	sor.u32 s6, s0  }
0x4: {  	s5 =	rddreg [dreg:$0x1];
	p1 =	seq.s32 s6, $0x1;
	p0 =	seq.s32 s1, $0x0  }
0x5: {  	s13 =	simm.s32 $0x400;
	s14 =	simm.s32 $0x4080;
	p0 =	por !p0, !p1  }
0x6: {  	s15 =	simm.s32 $0x4100;
	s16 =	simm.s32 $0x2000;
	p0 =	por !p0, !p0  }
0x7: {  	s17 =	simm.s32 $0x0;
	s9 =	ssub.s32 $0x2, s6;
	s2 =	simm.s32 @!p0 $0x0  }
0x8: {  	s4 =	sshll.u32 s6, $0x4;
	s11 =	sshrl.u32 s9, $0x1;
	s7 =	ssub.s32 s0, s2  }
0x9: {  	s6 =	sshll.u32 s6, $0x11;
	s9 =	ssub.s32 s9, s11;
	s3 =	sshll.u32 s7, $0x5  }
0xa: {  	s1 =	rddreg [dreg:$0x2];
	s9 =	smax.u32 s9, $0x1;
	s3 =	sor.u32 s4, s3  }
0xb: {  	s2 =	simm.s32 $0x0;
	s8 =	sshrl.u32 s3, $0x3;
	s3 =	sadd.s32 $0x4200, s5  }
0xc: {  	s8 =	sadd.s32 s8, s5;
	s5 =	sshll.u32 s7, $0x12;
	s7 =	sshll.u32 s7, $0x7  }
0xd: {  	v0 =	vlaneseq.u32;
	[smem:$0x7FF] =	sst s2;
	s12 =	sand.u32 $0xFFE00000, s5;
	s7 =	sand.u32 $0x380, s7  }
0xe: {  	v2 =	vmul.u32 $0xFFFFFFFF, v0;
	_ =	strace $0x80000047;
	s4 =	simm.s32 $0x1;
	s31 =	sor.u32 s7, s12  }
0xf: {  	s7 =	sadd.s32 $0x84200, s8;
	s8 =	sadd.s32 $0x84400, s8;
	s11 =	sshrl.u32 s31, $0x3  }
0x10: {  	v1 =	vimm.s32 $0x0;
	v2 =	vadd.s32 $0xF, v2;
	s12 =	simm.s32 $0x80;
	s10 =	sadd.s32 s10, s11;
	s11 =	sor.u32 $0x30, s6  }
.LBB2_1:
0x11: {  	s18 =	smov.u32 s11;
	s19 =	simm.s32 $0x0  }
.LBB2_2:
0x12: {  	s20 =	sshll.u32 s19, $0xD  }
0x13: {  	s20 =	sadd.s32 s6, s20  }
0x14: {  	s22 =	simm.s32 $0x0;
	s21 =	sadd.s32 s10, s20  }
0x15: {  	[tilespmem:s22], [sflag:$0x1] =	stream.strided.gather [hbm4b:s21+s12], $0x2000, s13, s12, $0x38;
	[tilespmem:$0x4180] =	vst v63  }
0x16: {  	_ =	swait.ge [sflag:s4], $0x2000  }
0x17: {  	[sflag:s4] =	ssyncset.done $0x0  }
0x18: {  	s30 =	simm.s32 $0x20;
	[sflag:s4] =	ssyncadd.s32 $0xFFFFE000  }
0x19: {  	v3 =	vld [tilespmem:s30+$0xFFFFFFE0];
	_ =	sdelay $0x1  }
0x1a: {  	v4 =	vld [tilespmem:s30+$0xFFFFFFF0]  }
0x1b: {  	v5 =	vld [tilespmem:s30+$0x0];
	_ =	sdelay $0x1  }
0x1c: {  	v6 =	vsub.f32 $1.000000000e+00, v3  }
0x1d: {  	v7 =	vld [tilespmem:s30+$0x10];
	vm7 =	vgt.f32 v3, $5.000000000e-01  }
0x1e: {  	v3 =	vsub.f32 $1.000000000e+00, v4;
	vm1 =	vgt.f32 v4, $5.000000000e-01;
	vm0 =	vgt.f32 v6, $5.000000000e-01  }
0x1f: {  	vm2 =	vgt.f32 v5, $5.000000000e-01;
	v4 =	vmpcnt.ones.xlane vm1;
	v8 =	vsel vm0, $0x1, v1  }
0x20: {  	v6 =	vmpcnt.ones.xlane vm7;
	vm0 =	vgt.f32 v3, $5.000000000e-01;
	v3 =	vperm.xlane v8, v2  }
0x21: {  	(v2sf) =	vpush v4, $0x0;
	v8 =	vsub.f32 $1.000000000e+00, v5;
	v9 =	vsel vm0, $0x1, v1  }
0x22: {  	v5 =	vperm.xlane v9, v2;
	vm3 =	veq.s32 v3, $0x1;
	v3 =	vsub.f32 $1.000000000e+00, v7  }
0x23: {  	vm9 =	vmmov vm1;
	(v2sf) =	vpush v6, $0x0;
	v4 =	vmpcnt.ones.xlane vm3  }
0x24: {  	vm0 =	vgt.f32 v8, $5.000000000e-01;
	vm4 =	veq.s32 v5, $0x1;
	vm5 =	vgt.f32 v3, $5.000000000e-01  }
0x25: {  	v3 =	vmpcnt.ones.xlane vm4;
	(v2sf) =	vpush v4, $0x0;
	v4 =	vsel vm0, $0x1, v1  }
0x26: {  	v6 =	vmpcnt.ones.xlane vm2;
	v5 =	vsel vm5, $0x1, v1;
	v4 =	vperm.xlane v4, v2  }
0x27: {  	s21 =	simm.s32 $0x60;
	vm0 =	vgt.f32 v7, $5.000000000e-01;
	(v2sf) =	vpush v3, $0x0;
	v3 =	vperm.xlane v5, v2  }
0x28: {  	v8 =	vld [tilespmem:s21+$0xFFFFFFF0];
	(v2sf) =	vpush v6, $0x0;
	vm1 =	veq.s32 v4, $0x1;
	v4 =	vmpcnt.ones.xlane vm0  }
0x29: {  	v5 =	vld [tilespmem:s21+$0xFFFFFFE0];
	vm5 =	veq.s32 v3, $0x1;
	v7 =	vmpcnt.ones.xlane vm1  }
0x2a: {  	v9 =	vld [tilespmem:s21+$0x0];
	v3 =	vmpcnt.ones.xlane vm5;
	(v2sf) =	vpush v4, $0x0  }
0x2b: {  	s23 =	sadd.s32 $0xFFFFFFD0, s18;
	vm10 =	vmmov vm2;
	vm11 =	vmmov vm3;
	(v2sf) =	vpush v7, $0x0  }
0x2c: {  	vm4 =	vmmov vm4;
	v6 =	vor.u32 s23, v0;
	(v2sf) =	vpush v3, $0x0  }
0x2d: {  	v10 =	vperm.xlane v6, v2;
	vm2 =	vmmov vm1;
	vm1 =	vmmov vm5;
	v4 =	vld [tilespmem:s21+$0x10]  }
0x2e: {  	v7 =	vsub.f32 $1.000000000e+00, v5;
	vm3 =	vgt.f32 v5, $5.000000000e-01;
	v5 =	vsub.f32 $1.000000000e+00, v8  }
0x2f: {  	vm5 =	vgt.f32 v8, $5.000000000e-01;
	v8 =	vsub.f32 $1.000000000e+00, v9;
	v3 =	vor.u32 s18, v0  }
0x30: {  	vm6 =	vgt.f32 v7, $5.000000000e-01;
	v7 =	vmpcnt.ones.xlane vm5;
	vm8 =	vgt.f32 v5, $5.000000000e-01  }
0x31: {  	vm12 =	vgt.f32 v8, $5.000000000e-01;
	v11 =	vsel vm6, $0x1, v1;
	vm6 =	vgt.f32 v9, $5.000000000e-01  }
0x32: {  	s31 =	spop (v2sf);
	v9 =	vsel vm8, $0x1, v1;
	v5 =	vperm.xlane v11, v2;
	v11 =	vsub.f32 $1.000000000e+00, v4  }
0x33: {  	s25 =	sadd.s32 $0xFFFFFFF0, s18;
	v8 =	vmpcnt.ones.xlane vm3;
	s24 =	spop (v2sf);
	v9 =	vperm.xlane v9, v2;
	(v2sf) =	vpush v7, $0x0  }
0x34: {  	s24 =	sadd.s32 $0x0, s24;
	vm8 =	veq.s32 v5, $0x1;
	vm13 =	vgt.f32 v11, $5.000000000e-01;
	v5 =	vor.u32 s25, v0  }
0x35: {  	[tilespmem:s22+$0x2000] =	vst.msk vm7, v6;
	s25 =	sadd.s32 $0xFFFFFFE0, s18;
	s29 =	sadd.s32 s24, s31;
	vm7 =	veq.s32 v9, $0x1;
	v9 =	vsel vm12, $0x1, v1;
	v6 =	vmpcnt.ones.xlane vm8;
	s26 =	spop (v2sf)  }
0x36: {  	[tilespmem:s29+$0x2000] =	vst.msk vm10, v5;
	v11 =	vmpcnt.ones.xlane vm7;
	s26 =	sadd.s32 $0x0, s26;
	s28 =	spop (v2sf);
	(v2sf) =	vpush v8, $0x0;
	v8 =	vor.u32 s25, v0  }
0x37: {  	s23 =	simm.s32 $0x4;
	v7 =	vsel vm13, $0x1, v1;
	v9 =	vperm.xlane v9, v2;
	s30 =	ssub.s32 $0x4000, s26;
	s31 =	spop (v2sf);
	(v2sf) =	vpush v6, $0x0;
	[tilespmem:s24+$0x2000] =	vst.msk vm9, v8  }
0x38: {  	s22 =	smov.u32 s18;
	v6 =	vperm.xlane v8, v2;
	s25 =	sadd.s32 s26, s28;
	v8 =	vmpcnt.ones.xlane vm6;
	[tilespmem:s30+$0x0] =	vst.msk vm11, v10;
	s24 =	sadd.s32 s29, s31;
	(v2sf) =	vpush v11, $0x0  }
.LBB2_3:
0x39: {  	s23 =	sadd.s32 $0x4, s23;
	v7 =	vperm.xlane v7, v2;
	[tilespmem:s24+$0x2000] =	vst.msk vm0, v3;
	vm0 =	vgt.f32 v4, $5.000000000e-01;
	s22 =	sadd.s32 $0x40, s22;
	s26 =	spop (v2sf);
	vm9 =	vmmov vm5  }
0x3a: {  	s29 =	ssub.s32 $0x4000, s25;
	s28 =	sadd.s32 $0xFFFFFFD0, s22;
	vm5 =	veq.s32 v9, $0x1;
	v4 =	vmpcnt.ones.xlane vm0;
	(v2sf) =	vpush v8, $0x0;
	s30 =	spop (v2sf)  }
0x3b: {  	s21 =	sadd.s32 $0x40, s21;
	v5 =	vperm.xlane v5, v2;
	v8 =	vor.u32 s28, v0;
	v9 =	vmpcnt.ones.xlane vm5;
	s25 =	sadd.s32 s25, s30;
	s28 =	spop (v2sf)  }
0x3c: {  	v3 =	vperm.xlane v3, v2;
	vm10 =	vmmov vm6;
	s24 =	sadd.s32 s24, s26;
	vm11 =	veq.s32 v7, $0x1;
	v10 =	vld [tilespmem:s21+$0xFFFFFFE0];
	[tilespmem:s29+$0x0] =	vst.msk vm4, v6;
	s29 =	ssub.s32 $0x4000, s25;
	s25 =	sadd.s32 s25, s28  }
0x3d: {  	p0 =	slt.u32 s23, $0x1FC;
	v7 =	vmpcnt.ones.xlane vm11;
	v6 =	vld [tilespmem:s21+$0xFFFFFFF0];
	(v2sf) =	vpush v4, $0x0;
	[tilespmem:s29+$0x0] =	vst.msk vm2, v5;
	s26 =	ssub.s32 $0x4000, s25;
	vm2 =	vmmov vm5  }
0x3e: {  	v5 =	vld [tilespmem:s21+$0x0];
	(v2sf) =	vpush v9, $0x0;
	[tilespmem:s26+$0x0] =	vst.msk vm1, v3;
	vm1 =	vmmov vm11;
	vm11 =	vmmov vm8  }
0x3f: {  	vm4 =	vmmov vm7;
	v4 =	vld [tilespmem:s21+$0x10];
	[tilespmem:s24+$0x2000] =	vst.msk vm3, v8;
	(v2sf) =	vpush v7, $0x0  }
0x40: {  	v3 =	vor.u32 s22, v0  }
0x41: {  	v8 =	vperm.xlane v8, v2;
	vm3 =	vgt.f32 v10, $5.000000000e-01;
	v7 =	vsub.f32 $1.000000000e+00, v10  }
0x42: {  	v9 =	vmpcnt.ones.xlane vm3;
	vm5 =	vgt.f32 v6, $5.000000000e-01;
	v6 =	vsub.f32 $1.000000000e+00, v6;
	s26 =	spop (v2sf)  }
0x43: {  	vm6 =	vgt.f32 v7, $5.000000000e-01;
	v7 =	vmpcnt.ones.xlane vm5;
	v10 =	vsub.f32 $1.000000000e+00, v5  }
0x44: {  	v11 =	vsel vm6, $0x1, v1;
	vm7 =	vgt.f32 v6, $5.000000000e-01;
	vm6 =	vgt.f32 v5, $5.000000000e-01  }
0x45: {  	s28 =	sadd.s32 $0xFFFFFFE0, s22;
	v5 =	vperm.xlane v11, v2;
	v6 =	vsel vm7, $0x1, v1;
	v11 =	vsub.f32 $1.000000000e+00, v4;
	s29 =	spop (v2sf)  }
0x46: {  	s30 =	spop (v2sf)  }
0x47: {  	vm12 =	vgt.f32 v10, $5.000000000e-01;
	v6 =	vperm.xlane v6, v2;
	(v2sf) =	vpush v7, $0x0;
	s24 =	sadd.s32 s24, s29;
	s29 =	sadd.s32 $0xFFFFFFF0, s22;
	s25 =	sadd.s32 s25, s30  }
.Ltmp0:
0x48: {  	vm8 =	veq.s32 v5, $0x1;
	vm13 =	vgt.f32 v11, $5.000000000e-01;
	s26 =	sadd.s32 s24, s26;
	v5 =	vor.u32 s29, v0;
	s29 =	spop (v2sf);
	(pc) =	sbr.rel @p0 .LBB2_3-.Ltmp0, $4  }
0x49: {  	v11 =	vsel vm12, $0x1, v1;
	v10 =	vmpcnt.ones.xlane vm8;
	vm7 =	veq.s32 v6, $0x1;
	s30 =	ssub.s32 $0x4000, s25;
	s25 =	sadd.s32 s25, s29;
	[tilespmem:s26+$0x2000] =	vst.msk vm10, v5  }
0x4a: {  	v6 =	vor.u32 s28, v0;
	v12 =	vmpcnt.ones.xlane vm7;
	(v2sf) =	vpush v9, $0x0;
	[tilespmem:s30+$0x0] =	vst.msk vm11, v8;
	s28 =	spop (v2sf)  }
0x4b: {  	v7 =	vsel vm13, $0x1, v1;
	(v2sf) =	vpush v10, $0x0;
	[tilespmem:s24+$0x2000] =	vst.msk vm9, v6;
	v6 =	vperm.xlane v6, v2;
	s24 =	sadd.s32 s26, s28  }
0x4c: {  	v8 =	vmpcnt.ones.xlane vm6;
	v9 =	vperm.xlane v11, v2;
	(v2sf) =	vpush v12, $0x0  }
0x4d: {  	vm11 =	vgt.f32 v4, $5.000000000e-01;
	v56 =	vperm.xlane v7, v2  }
0x4e: {  	vm10 =	veq.s32 v9, $0x1;
	v57 =	vmpcnt.ones.xlane vm11  }
0x4f: {  	(v2sf) =	vpush v8, $0x0;
	v58 =	vmpcnt.ones.xlane vm10;
	vm9 =	veq.s32 v56, $0x1  }
0x50: {  	(v2sf) =	vpush v57, $0x0;
	v4 =	vmpcnt.ones.xlane vm9  }
0x51: {  	(v2sf) =	vpush v58, $0x0  }
0x52: {  	(v2sf) =	vpush v4, $0x0;
	_ =	sdelay $0x4  }
0x53: {  	s21 =	spop (v2sf)  }
0x54: {  	s22 =	sadd.s32 $0x40, s22;
	s29 =	ssub.s32 $0x4000, s25;
	s23 =	spop (v2sf)  }
0x55: {  	[tilespmem:s24+$0x2000] =	vst.msk vm0, v3;
	s28 =	sadd.s32 $0xFFFFFFD0, s22;
	s21 =	sadd.s32 s24, s21;
	s26 =	spop (v2sf)  }
0x56: {  	v59 =	vperm.xlane v5, v2;
	[tilespmem:s29+$0x0] =	vst.msk vm4, v6;
	s29 =	sadd.s32 $0xFFFFFFF0, s22;
	s23 =	sadd.s32 s25, s23;
	v60 =	vor.u32 s28, v0;
	s25 =	spop (v2sf)  }
0x57: {  	v3 =	vperm.xlane v3, v2;
	s31 =	ssub.s32 $0x4000, s23;
	s23 =	sadd.s32 s23, s26;
	[tilespmem:s21+$0x2000] =	vst.msk vm3, v60;
	s26 =	spop (v2sf)  }
0x58: {  	vm4 =	vmmov vm8;
	[tilespmem:s31+$0x0] =	vst.msk vm2, v59;
	s30 =	ssub.s32 $0x4000, s23;
	s31 =	spop (v2sf);
	s24 =	sadd.s32 s21, s26  }
0x59: {  	vm8 =	vmmov vm6;
	v61 =	vor.u32 s29, v0;
	[tilespmem:s30+$0x0] =	vst.msk vm1, v3;
	v3 =	vperm.xlane v60, v2;
	s23 =	sadd.s32 s23, s31;
	s30 =	spop (v2sf);
	s25 =	sadd.s32 s24, s25  }
0x5a: {  	s31 =	sadd.s32 $0xFFFFFFE0, s22;
	s28 =	ssub.s32 $0x4000, s23;
	[tilespmem:s25+$0x2000] =	vst.msk vm8, v61;
	s29 =	spop (v2sf)  }
0x5b: {  	vm12 =	vmmov vm5;
	[tilespmem:s28+$0x0] =	vst.msk vm4, v3;
	v3 =	vor.u32 s31, v0;
	s21 =	spop (v2sf)  }
0x5c: {  	v63 =	vmov s19;
	v62 =	vor.u32 s22, v0;
	s30 =	sadd.s32 s23, s30;
	[tilespmem:s24+$0x2000] =	vst.msk vm12, v3;
	v3 =	vperm.xlane v3, v2;
	s31 =	sadd.s32 s25, s29;
	s26 =	spop (v2sf)  }
0x5d: {  	vm13 =	vmmov vm7;
	v4 =	vperm.xlane v61, v2;
	s28 =	ssub.s32 $0x4000, s30;
	[tilespmem:s31+$0x2000] =	vst.msk vm11, v62;
	s22 =	sadd.s32 s30, s26;
	s29 =	spop (v2sf)  }
0x5e: {  	vm14 =	vmmov vm10;
	[tilespmem:s28+$0x0] =	vst.msk vm13, v3;
	v3 =	vperm.xlane v62, v2;
	s30 =	ssub.s32 $0x4000, s22;
	s22 =	sadd.s32 s22, s29  }
0x5f: {  	vm15 =	vmmov vm9;
	s21 =	sadd.s32 s31, s21;
	[tilespmem:s30+$0x0] =	vst.msk vm14, v4;
	s31 =	ssub.s32 $0x4000, s22  }
0x60: {  	s20 =	sor.u32 s5, s20;
	s19 =	sadd.s32 $0x1, s19;
	[tilespmem:s31+$0x0] =	vst.msk vm15, v3;
	v3 =	vmov s21  }
0x61: {  	s20 =	sshrl.u32 s20, $0x3;
	p0 =	sne.s32 s19, $0x10;
	[tilespmem:v63+s14+$0x0] =	vst.idx.msk $0x1, v3;
	v3 =	vmov s22  }
.Ltmp1:
0x62: {  	s20 =	sadd.s32 s3, s20;
	[tilespmem:v63+s15+$0x0] =	vst.idx.msk $0x1, v3;
	(pc) =	sbr.rel @p0 .LBB2_2-.Ltmp1, $4  }
0x63: {  	[hbm4b:s20+s2] =	stream.linear.scatter [tilespmem:s16], [sflag:$0x1], $0x2000, $0x38;
	[tilespmem:$0x4180] =	vst v63  }
0x64: {  	_ =	swait.ge [sflag:s4], $0x2000  }
0x65: {  	[sflag:s4] =	ssyncset.done $0x0  }
0x66: {  	s18 =	sadd.s32 $0x2000, s18;
	[sflag:s4] =	ssyncadd.s32 $0xFFFFE000  }
0x67: {  	[hbm4b:s7+s2] =	stream.linear.scatter [tilespmem:s14], [sflag:$0x1], $0x10, $0x38;
	[tilespmem:$0x4180] =	vst v63  }
0x68: {  	s17 =	sadd.s32 $0x1, s17;
	_ =	swait.ge [sflag:s4], $0x10  }
0x69: {  	p0 =	sne.s32 s17, s9;
	[sflag:s4] =	ssyncset.done $0x0  }
.Ltmp2:
0x6a: {  	[sflag:s4] =	ssyncadd.s32 $0xFFFFFFF0;
	(pc) =	sbr.rel @p0 .LBB2_1-.Ltmp2, $4  }
0x6b: {  	[hbm4b:s8+s2] =	stream.linear.scatter [tilespmem:s15], [sflag:$0x1], $0x10, $0x38;
	[tilespmem:$0x4180] =	vst v63  }
0x6c: {  	_ =	swait.ge [sflag:s4], $0x10  }
0x6d: {  	[sflag:s4] =	ssyncset.done $0x0  }
0x6e: {  	[sflag:s4] =	ssyncadd.s32 $0xFFFFFFF0  }
0x6f: {  	_ =	sfence.sel $0x180000  }
0x70: {  	[bflag:$0x0] =	sbarrier.arrive $0xFFFF  }
0x71: {  	p0 =	sne.s32 s0, $0x0;
	_ =	strace $0x90000047  }
0x72: {  	s0 =	sadd.s32 @!p0 $0x100000, s1;
	[bflag:$0x2] =	sbarrier.arrive $0xFFFF  }
0x73: {  	[sflag:s0] =	ssyncadd.tile.s32 @!p0 $0x1;
	_ =	shalt  }
.Lfunc_end2:
_tile_overlayer_lowered:
.L_overlay_start_2:
0x74: {  	(tag) =	ssettag $0x2  }
0x75: {  	s0 =	rddreg [dreg:$0x0];
	s2 =	stileid.u32  }
0x76: {  	s1 =	rddreg [dreg:$0x1];
	p0 =	sne.s32 s2, $0x0  }
0x77: {  	s3 =	rddreg [dreg:$0x2];
	[bflag:$0x3] =	sbarrier.arrive $0xFFFF;
	s2 =	simm.s32 @!p0 $0x1C01  }
0x78: {  	[timem:s3], [sflag:s2] =	dma.local @!p0 [hbm:s0], s1  }
0x79: {  	s0 =	simm.s32 @!p0 $0x1  }
0x7a: {  	_ =	swait.ge @!p0 [sflag:s0], s1  }
0x7b: {  	s1 =	ssub.s32 @!p0 $0x0, s1;
	[sflag:s0] =	ssyncset.done @!p0 $0x0  }
0x7c: {  	[sflag:s0] =	ssyncadd.s32 @!p0 s1  }
0x7d: {  	[bflag:$0x3] =	sbarrier.arrive $0xFFFF  }
0x7e: {  	_ =	shalt  }

// kernel: kernel.8.cloned.1.call-start
scs
__scs_entry_jumppad:
0x0: {  	(pc) =	sbr.rel $0x88, $3  }
0x1: {  	(tag) =	ssettag $0x0;
	lr =	simm.s32 $0x1  }
0x2: {  	[smem:$0x3F9C] =	sst lr;
	_ =	strace $0xD0000000  }
0x3: {  	_ = 	snop  }
0x4: {  	_ = 	snop  }
0x5: {  	_ = 	snop  }
0x6: {  	_ = 	snop  }
0x7: {  	_ = 	snop  }
__scs_overlays_trampoline_lowered:
0x8: {  	[smem:$0x3FAB] =	sst s0  }
0x9: {  	[smem:$0x3FAC] =	sst s1  }
0xa: {  	[smem:$0x3FAD] =	sst s2  }
0xb: {  	[smem:$0x3FAE] =	sst s3  }
0xc: {  	[smem:$0x3FAF] =	sst s4  }
0xd: {  	[smem:$0x3FB0] =	sst s5  }
0xe: {  	[smem:$0x3FB1] =	sst s6  }
0xf: {  	[smem:$0x3FB2] =	sst s7  }
0x10: {  	[smem:$0x3FB3] =	sst s8  }
0x11: {  	[smem:$0x3FB4] =	sst s9;
	s0 =	simm.s32 @!p0 $0x0  }
0x12: {  	s1 =	sld [smem:$0x3F9A];
	s0 =	simm.s32 @p0 $0x1  }
0x13: {  	[smem:$0x3FB5] =	sst s0;
	s0 =	simm.s32 @!p1 $0x0  }
0x14: {  	s2 =	sld [smem:$0x3F99];
	s0 =	simm.s32 @p1 $0x1  }
0x15: {  	[smem:$0x3FB6] =	sst s0;
	s0 =	simm.s32 @!p2 $0x0  }
0x16: {  	s3 =	sld [smem:$0x3FDB];
	s0 =	simm.s32 @p2 $0x1  }
0x17: {  	s4 =	simm.s32 $0x1BF5;
	[smem:$0x3FB8] =	sst s0  }
0x18: {  	s0 =	sld [smem:$0x3F9B];
	_ =	swait.ge [sflag:s4], $0x0  }
0x19: {  	s7 =	sld [smem:$0x3F9C]  }
0x1a: {  	s8 =	sadd.s32 $0xFFFFE003, lr  }
0x1b: {  	s9 =	sadd.s32 $0xFFFFFEF7, lr;
	s5 =	simm.s32 $0xFFFFFFFF;
	p2 =	slt.u32 s8, $0xFFFFF086  }
0x1c: {  	p1 =	slt.u32 s9, $0xF7A;
	s5 =	simm.s32 @!p2 $0x0  }
0x1d: {  	s5 =	simm.s32 @p1 $0x1;
	p0 =	seq.s32 s7, s2  }
0x1e: {  	s7 =	smul.u32 @!p0 $0xF7A, s2;
	p2 =	seq.s32 @!p0 s5, $0x0  }
0x1f: {  	s9 =	smul.u32 $0xF7A, s1;
	s8 =	simm.s32 @!p0 $0x1BF5;
	p2 =	por !p2, p0  }
0x20: {  	[sflag:s8] =	ssyncset.s32 @!p0 $0xFFFFF086;
	s6 =	sadd.s32 @!p0 s3, s7;
	s7 =	simm.s32 @!p0 $0x108  }
0x21: {  	s3 =	sadd.s32 s3, s9;
	s6 =	sadd.s32 @!p0 $0x88, s6;
	s7 =	simm.s32 @p2 $0x1082  }
0x22: {  	[simem:s7], [sflag:s8] =	dma.local @!p0 [hbm:s6], $0xF7A  }
0x23: {  	s9 =	sor.u32 $0xD0000000, s2;
	s6 =	simm.s32 $0x108;
	_ =	swait.ge @!p0 [sflag:s8], $0x0  }
0x24: {  	s3 =	sadd.s32 $0x88, s3;
	s6 =	simm.s32 @!p1 $0x1082;
	[sflag:s4] =	ssyncset.s32 $0xFFFFF086  }
0x25: {  	[simem:s6], [sflag:s4] =	dma.local [hbm:s3], $0xF7A  }
0x26: {  	[smem:$0x3F9C] =	sst s1;
	(tag) =	ssettag s2;
	_ =	strace s9  }
0x27: {  	s1 =	sld [smem:$0x3FAC]  }
0x28: {  	s2 =	sld [smem:$0x3FAD]  }
0x29: {  	s4 =	sld [smem:$0x3FAF]  }
0x2a: {  	p0 =	seq.s32 s5, $0x0;
	s5 =	sld [smem:$0x3FB0]  }
0x2b: {  	s6 =	sld [smem:$0x3FB1]  }
0x2c: {  	s7 =	sld [smem:$0x3FB2]  }
0x2d: {  	s3 =	simm.s32 $0x108;
	s8 =	sld [smem:$0x3FB3]  }
0x2e: {  	s3 =	simm.s32 @!p0 $0x1082;
	s9 =	sld [smem:$0x3FB4]  }
0x2f: {  	lr =	sadd.s32 s0, s3;
	s0 =	sld [smem:$0x3FAB]  }
0x30: {  	s3 =	sld [smem:$0x3FAE]  }
0x31: {  	[smem:$0x3FB7] =	sst s10  }
0x32: {  	s10 =	sld [smem:$0x3FB5];
	_ =	sdelay $0x3  }
0x33: {  	p0 =	seq.s32 s10, $0x1;
	s10 =	sld [smem:$0x3FB7];
	_ =	sdelay $0x3  }
0x34: {  	[smem:$0x3FB7] =	sst s10  }
0x35: {  	s10 =	sld [smem:$0x3FB6];
	_ =	sdelay $0x3  }
0x36: {  	p1 =	seq.s32 s10, $0x1;
	s10 =	sld [smem:$0x3FB7];
	_ =	sdelay $0x3  }
0x37: {  	[smem:$0x3FB7] =	sst s10  }
0x38: {  	s10 =	sld [smem:$0x3FB8]  }
0x39: {  	_ = 	snop;
	(pc) =	sbr.ind lr, $3  }
0x3a: {  	_ = 	snop  }
0x3b: {  	_ = 	snop  }
0x3c: {  	p2 =	seq.s32 s10, $0x1;
	s10 =	sld [smem:$0x3FB7]  }
0x3d: {  	_ =	shalt  }
0x3e: {  	_ =	shalt  }
0x3f: {  	_ =	shalt  }
0x40: {  	_ =	shalt  }
0x41: {  	_ =	shalt  }
0x42: {  	_ =	shalt  }
0x43: {  	_ =	shalt  }
0x44: {  	_ =	shalt  }
0x45: {  	_ =	shalt  }
0x46: {  	_ =	shalt  }
0x47: {  	_ =	shalt  }
0x48: {  	_ =	shalt  }
0x49: {  	_ =	shalt  }
0x4a: {  	_ =	shalt  }
0x4b: {  	_ =	shalt  }
0x4c: {  	_ =	shalt  }
0x4d: {  	_ =	shalt  }
0x4e: {  	_ =	shalt  }
0x4f: {  	_ =	shalt  }
0x50: {  	_ =	shalt  }
0x51: {  	_ =	shalt  }
0x52: {  	_ =	shalt  }
0x53: {  	_ =	shalt  }
0x54: {  	_ =	shalt  }
0x55: {  	_ =	shalt  }
0x56: {  	_ =	shalt  }
0x57: {  	_ =	shalt  }
0x58: {  	_ =	shalt  }
0x59: {  	_ =	shalt  }
0x5a: {  	_ =	shalt  }
0x5b: {  	_ =	shalt  }
0x5c: {  	_ =	shalt  }
0x5d: {  	_ =	shalt  }
0x5e: {  	_ =	shalt  }
0x5f: {  	_ =	shalt  }
0x60: {  	_ =	shalt  }
0x61: {  	_ =	shalt  }
0x62: {  	_ =	shalt  }
0x63: {  	_ =	shalt  }
0x64: {  	_ =	shalt  }
0x65: {  	_ =	shalt  }
0x66: {  	_ =	shalt  }
0x67: {  	_ =	shalt  }
0x68: {  	_ =	shalt  }
0x69: {  	_ =	shalt  }
0x6a: {  	_ =	shalt  }
0x6b: {  	_ =	shalt  }
0x6c: {  	_ =	shalt  }
0x6d: {  	_ =	shalt  }
0x6e: {  	_ =	shalt  }
0x6f: {  	_ =	shalt  }
0x70: {  	_ =	shalt  }
0x71: {  	_ =	shalt  }
0x72: {  	_ =	shalt  }
0x73: {  	_ =	shalt  }
0x74: {  	_ =	shalt  }
0x75: {  	_ =	shalt  }
0x76: {  	_ =	shalt  }
0x77: {  	_ =	shalt  }
0x78: {  	_ =	shalt  }
0x79: {  	_ =	shalt  }
0x7a: {  	_ =	shalt  }
0x7b: {  	_ =	shalt  }
0x7c: {  	_ =	shalt  }
0x7d: {  	_ =	shalt  }
0x7e: {  	_ =	shalt  }
0x7f: {  	_ =	shalt  }
0x80: {  	_ =	shalt  }
0x81: {  	_ =	shalt  }
0x82: {  	_ =	shalt  }
0x83: {  	_ =	shalt  }
0x84: {  	_ =	shalt  }
0x85: {  	_ =	shalt  }
0x86: {  	_ =	shalt  }
0x87: {  	_ =	shalt  }
.Lfunc_end0:
.L_simem_size_0:
called_computation.1_lowered:
.L_overlay_start_0:
0x88: {  	s2 =	sld [smem:$0x3FD9]  }
0x89: {  	s3 =	sld [smem:$0x3FFE];
	_ =	sdelay $0x1  }
0x8a: {  	s1 =	srdreg.scid  }
0x8b: {  	s0 =	sand.u32 $0x1, s1  }
0x8c: {  	s14 =	sshll.u32 s0, $0xA;
	s2 =	sadd.s32 s3, s2  }
0x8d: {  	s2 =	sadd.s32 s2, s14  }
0x8e: {  	[smem:$0x3FC3] =	sst s2  }
0x8f: {  	_ = 	snop  }
0x90: {  	s2 =	sld [smem:$0x3FD0];
	_ =	sdelay $0x2  }
0x91: {  	s15 =	simm.s32 $0xA;
	s4 =	simm.s32 $0x10  }
0x92: {  	[smem:s4], [sflag:s15] =	dma.local [hbm:s2], $0x1  }
0x93: {  	_ =	swait.eq [sflag:s15], $0x1  }
0x94: {  	s16 =	sld [smem:$0x10]  }
0x95: {  	s17 =	sld [smem:$0x11];
	[sflag:s15] =	ssyncset.done $0x0  }
0x96: {  	s5 =	sld [smem:$0x12];
	[sflag:s15] =	ssyncadd.s32 $0xFFFFFFFF  }
0x97: {  	s18 =	sld [smem:$0x13];
	(tm) =	ssettm $0x1  }
0x98: {  	s6 =	sld [smem:$0x3FFB];
	_ =	sdelay $0x3  }
0x99: {  	_ =	strace s6  }
0x9a: {  	s6 =	sld [smem:$0x3FFC];
	_ =	sdelay $0x3  }
0x9b: {  	_ =	strace s6  }
0x9c: {  	s6 =	sld [smem:$0x3FFD];
	_ =	sdelay $0x3  }
0x9d: {  	_ =	strace s6  }
0x9e: {  	_ =	strace $0x8FFFFFFF  }
0x9f: {  	s19 =	sld [smem:$0x3FDB];
	_ =	sdelay $0x1  }
0xa0: {  	s7 =	simm.s32 $_scs_section_size  }
0xa1: {  	s8 =	simm.s32 $_size__tile_overlayer_lowered;
	s9 =	simm.s32 $_tile_overlayer_lowered  }
0xa2: {  	s22 =	simm.s32 $0x1BFF;
	s21 =	sshll.u32 s9, $0x1;
	s6 =	sadd.s32 s7, s19  }
0xa3: {  	s10 =	simm.s32 $0x0;
	s20 =	sshll.u32 s8, $0x1;
	s8 =	sadd.s32 s21, s6  }
0xa4: {  	[timem:s10], [sflag:s22] =	dma.local [hbm:s8], s20  }
0xa5: {  	_ =	swait.ge [sflag:s22], s20  }
0xa6: {  	s7 =	ssub.s32 $0x0, s20;
	[sflag:s22] =	ssyncset.done $0x0  }
0xa7: {  	[sflag:s22] =	ssyncadd.s32 s7;
	_ =	sdelay $0x1  }
0xa8: {  	s23 =	simm.s32 $0x1B8B  }
0xa9: {  	_ =	swait.ge [sflag:s23], $0x1  }
0xaa: {  	[sflag:s23] =	ssyncset.done $0x0  }
0xab: {  	s25 =	simm.s32 $0x1B8E;
	s24 =	sld [smem:$0x3FFE];
	[sflag:s23] =	ssyncadd.s32 $0xFFFFFFFF  }
0xac: {  	s26 =	simm.s32 $execute0_lowered;
	[smem:$0x3FD2] =	sst s25  }
0xad: {  	s8 =	sshll.u32 s26, $0x1;
	_ =	strace $0x80000049;
	[dreg:$0x1] =	wrdreg $0xFFFFFFFF  }
0xae: {  	s28 =	simm.s32 $_size_execute0_lowered;
	s6 =	sadd.s32 s6, s8;
	[dreg:$0x0] =	wrdreg $0x0  }
0xaf: {  	s8 =	sshll.u32 s28, $0x1;
	[dreg:$0x2] =	wrdreg s6  }
0xb0: {  	[dreg:$0x3] =	wrdreg s8  }
0xb1: {  	[dreg:$0x4] =	wrdreg $0xC0  }
0xb2: {  	_ =	task [dreg:s10], $0x5FFFF  }
0xb3: {  	[dreg:$0x1] =	wrdreg $0xFFFFFFFF  }
0xb4: {  	[dreg:$0x0] =	wrdreg $0x60  }
0xb5: {  	[dreg:$0x2] =	wrdreg s24  }
0xb6: {  	[dreg:$0x3] =	wrdreg s17  }
0xb7: {  	[dreg:$0x4] =	wrdreg s16  }
0xb8: {  	[dreg:$0x5] =	wrdreg s18  }
0xb9: {  	[dreg:$0x6] =	wrdreg s5  }
0xba: {  	[dreg:$0x7] =	wrdreg $0x9  }
0xbb: {  	_ =	task.clear_ibuf [dreg:s10], $0x8FFFF;
	_ =	strace $0x90000049  }
0xbc: {  	s29 =	simm.s32 $0x9;
	_ =	strace $0x8000004B  }
0xbd: {  	_ =	swait.ge [sflag:s29], $0x1  }
0xbe: {  	[sflag:s29] =	ssyncadd.s32 $0xFFFFFFFF  }
0xbf: {  	_ =	strace $0x9000004B  }
0xc0: {  	_ =	sfence  }
0xc1: {  	s30 =	sld [smem:$0x0];
	_ =	sdelay $0x2  }
0xc2: {  	s31 =	sshll.u32 s1, $0xD;
	s1 =	sshrl.u32 s1, $0x2  }
0xc3: {  	s3 =	sand.u32 $0x4000, s31;
	s1 =	sadd.s32 s1, s30  }
0xc4: {  	s0 =	sor.u32 s3, s0;
	s1 =	sshll.u32 s1, $0x11  }
0xc5: {  	s0 =	sor.u32 s1, s0  }
0xc6: {  	s0 =	sadd.s32 $0x8F2B, s0  }
0xc7: {  	[sflag:s0] =	ssyncadd.remote.s32 $0x1  }
0xc8: {  	_ =	sfence.sel $0xFFFF  }
0xc9: {  	[dreg:$0x0] =	wrdreg $0xFFFFFFFF;
	(pc) =	sbr.abs _section_cstart, $3  }
0xca: {  	[dreg:$0x1] =	wrdreg $0xFFFFFFFF  }
0xcb: {  	_ =	task.clear_ibuf [dreg:s10], $0x2FFFF;
	_ =	strace $0x9FFFFFFF  }
0xcc: {  	(tm) =	ssettm $0x7FFFFFFF  }
0xcd: {  	_ =	shalt  }
tec
execute0_lowered:
.L_overlay_start_1:
0x0: {  	(tag) =	ssettag $0x1  }
0x1: {  	s0 =	rddreg [dreg:$0x0]  }
0x2: {  	s1 =	rddreg [dreg:$0x1]  }
0x3: {  	s9 =	rddreg [dreg:$0x2]  }
0x4: {  	s2 =	srdreg.scid;
	s11 =	rddreg [dreg:$0x3]  }
0x5: {  	s4 =	stileid.u32;
	s12 =	rddreg [dreg:$0x4]  }
0x6: {  	s3 =	simm.s32 $0x1;
	s28 =	simm.s32 $0xC100;
	s6 =	sand.u32 $0x1, s2  }
0x7: {  	s29 =	simm.s32 $0x0;
	s2 =	sor.u32 s6, s4;
	p1 =	seq.s32 s6, $0x1  }
0x8: {  	s10 =	sshll.u32 s6, $0x10;
	s24 =	ssub.s32 $0x2, s6;
	s30 =	sshll.u32 s6, $0xD  }
0x9: {  	s18 =	sshll.u32 s6, $0x11;
	p0 =	seq.s32 s2, $0x0;
	s2 =	simm.s32 $0x0  }
0xa: {  	s26 =	sshrl.u32 s24, $0x1;
	p0 =	por !p0, !p1;
	[smem:$0x7FF] =	sst s2  }
0xb: {  	s16 =	ssub.s32 s24, s26;
	s24 =	simm.s32 $0x4100;
	p0 =	por !p0, !p0  }
0xc: {  	s26 =	simm.s32 $0xA100;
	_ =	strace $0x8000004A;
	s3 =	simm.s32 @!p0 $0x0  }
0xd: {  	s13 =	ssub.s32 s4, s3;
	s3 =	sadd.s32 $0x4200, s0;
	s4 =	simm.s32 $0x1  }
0xe: {  	s7 =	sshrl.u32 s13, $0x3;
	s5 =	sshll.u32 s13, $0x7;
	s14 =	sshll.u32 s13, $0x2  }
0xf: {  	s19 =	sshll.u32 s13, $0x12;
	s8 =	sshll.u32 s7, $0x11;
	s15 =	sand.u32 $0x380, s5  }
0x10: {  	s23 =	sand.u32 $0x1FFFFFFC, s14;
	s17 =	sshll.u32 s7, $0x12;
	s14 =	smax.u32 s16, $0x1  }
0x11: {  	s22 =	sor.u32 s10, s8;
	s8 =	sadd.s32 s23, s0;
	s31 =	sor.u32 s18, s17  }
0x12: {  	s10 =	sxor.u32 $0x3000, s30;
	s17 =	simm.s32 $0x80;
	s5 =	sor.u32 s15, s22  }
0x13: {  	s18 =	simm.s32 $0x400;
	s6 =	sadd.s32 $0x84400, s8;
	s25 =	sshrl.u32 s5, $0x3  }
0x14: {  	s5 =	sadd.s32 $0x84200, s8;
	s0 =	sadd.s32 s25, s0;
	s7 =	sadd.s32 s1, s25  }
0x15: {  	s9 =	sadd.s32 s9, s25;
	s1 =	sor.u32 s15, s31;
	s12 =	sadd.s32 s12, s25  }
0x16: {  	v1 =	vlaneseq.u32;
	s15 =	simm.s32 $0x2;
	s25 =	simm.s32 $0xE100;
	s1 =	sshrl.u32 s1, $0x3  }
0x17: {  	v1 =	vmul.u32 $0x2, v1;
	v0 =	vmov s19;
	s8 =	sadd.s32 $0x84600, s0;
	s13 =	sadd.s32 $0x8C600, s0;
	s11 =	sadd.s32 s11, s1  }
.LBB2_1:
0x18: {  	[tilespmem:s2], [sflag:$0x2] =	stream.linear.gather [hbm4b:s5+s2], $0x20, $0x38;
	[tilespmem:$0x12100] =	vst v63  }
0x19: {  	_ =	swait.ge [sflag:s15], $0x20  }
0x1a: {  	[sflag:s15] =	ssyncset.done $0x0  }
0x1b: {  	s0 =	simm.s32 $0x20;
	[sflag:s15] =	ssyncadd.s32 $0xFFFFFFE0  }
0x1c: {  	[tilespmem:s0], [sflag:$0x2] =	stream.linear.gather [hbm4b:s6+s2], $0x20, $0x38;
	[tilespmem:$0x12100] =	vst v63  }
0x1d: {  	_ =	swait.ge [sflag:s15], $0x20  }
0x1e: {  	[sflag:s15] =	ssyncset.done $0x0  }
0x1f: {  	s20 =	simm.s32 $0x100;
	[sflag:s15] =	ssyncadd.s32 $0xFFFFFFE0  }
0x20: {  	[tilespmem:s20], [sflag:$0x2] =	stream.strided.gather [hbm4b:s7+s17], $0x2000, s18, s17, $0x38;
	[tilespmem:$0x12100] =	vst v63  }
0x21: {  	_ =	swait.ge [sflag:s15], $0x2000  }
0x22: {  	[sflag:s15] =	ssyncset.done $0x0  }
0x23: {  	s21 =	simm.s32 $0x6100;
	[sflag:s15] =	ssyncadd.s32 $0xFFFFE000  }
0x24: {  	[tilespmem:s21], [sflag:$0x2] =	stream.strided.gather [hbm4b:s8+s17], $0x2000, s18, s17, $0x38;
	[tilespmem:$0x12100] =	vst v63  }
0x25: {  	_ =	swait.ge [sflag:s15], $0x2000  }
0x26: {  	[sflag:s15] =	ssyncset.done $0x0  }
0x27: {  	s22 =	simm.s32 $0x8100;
	[sflag:s15] =	ssyncadd.s32 $0xFFFFE000  }
0x28: {  	[tilespmem:s22], [sflag:$0x2] =	stream.strided.gather [hbm4b:s9+s17], $0x2000, s18, s17, $0x38;
	[tilespmem:$0x12100] =	vst v63  }
0x29: {  	_ =	swait.ge [sflag:s15], $0x2000  }
0x2a: {  	[sflag:s15] =	ssyncset.done $0x0  }
0x2b: {  	[sflag:s15] =	ssyncadd.s32 $0xFFFFE000  }
0x2c: {  	v2 =	vld [tilespmem:$0x0];
	_ =	sdelay $0x1  }
0x2d: {  	v4 =	vld [tilespmem:$0x10]  }
0x2e: {  	v5 =	vld [tilespmem:$0x20];
	_ =	sdelay $0x1  }
0x2f: {  	(xrf0) =	vadd.scan.msk.s32 $0xffff, v2  }
0x30: {  	v6 =	vld [tilespmem:$0x30]  }
0x31: {  	(xrf0) =	vadd.scan.msk.s32 $0xffff, v4  }
0x32: {  	(xrf0) =	vadd.scan.msk.s32 $0xffff, v5;
	_ =	sdelay $0x2  }
0x33: {  	(xrf0) =	vadd.scan.msk.s32 $0xffff, v6;
	v3, _, _ =	vpop (xrf0)  }
0x34: {  	p0 =	sgt.u32 s10, $0x0;
	s0 =	simm.s32 $0x0;
	v8 =	vbroadcast v3, $0xF  }
0x35: {  	s0 =	simm.s32 @!p0 $0x20;
	v7, _, _ =	vpop (xrf0)  }
0x36: {  	v2 =	vsub.s32 v3, v2;
	v3 =	vmov s0;
	v9, _, _ =	vpop (xrf0);
	v4 =	vsub.s32 v8, v4  }
0x37: {  	v10 =	vor.u32 $0x10, v3;
	v8 =	vbroadcast v9, $0xF  }
0x38: {  	[tilespmem:$0x80] =	vst v2;
	v2 =	vadd.s32 v7, v4  }
0x39: {  	[tilespmem:$0x90] =	vst v2;
	v2 =	vsub.s32 v9, v5;
	v5 =	vsub.s32 v8, v6;
	v4, _, _ =	vpop (xrf0)  }
0x3a: {  	[tilespmem:$0xA0] =	vst v2;
	v2 =	vadd.s32 v4, v5  }
0x3b: {  	[tilespmem:$0xB0] =	vst v2  }
0x3c: {  	s1 =	simm.s32 $0x120;
	v2 =	vld.idx.msk [tilespmem:v10+s17+$0x0], $0xffff  }
0x3d: {  	v17 =	vld [tilespmem:s1+$0x10]  }
0x3e: {  	v16 =	vld [tilespmem:s1+$0xFFFFFFE0];
	_ =	sdelay $0x3  }
0x3f: {  	vm0 =	vgt.s32 v2, v17  }
0x40: {  	vm1 =	vgt.s32 v2, v16;
	v4 =	vsel vm0, s0, v10  }
0x41: {  	v5 =	vsel vm1, s0, v10;
	v6 =	vor.u32 $0x8, v4  }
0x42: {  	v8 =	vld [tilespmem:s1+$0xFFFFFFF0];
	v7 =	vor.u32 $0x8, v5  }
0x43: {  	v9 =	vld [tilespmem:s1+$0x0];
	_ =	sdelay $0x2  }
0x44: {  	v11 =	vld.idx.msk [tilespmem:v6+s17+$0x0], $0xffff  }
0x45: {  	vm0 =	vgt.s32 v2, v8;
	v12 =	vld.idx.msk [tilespmem:v7+s17+$0x0], $0xffff  }
0x46: {  	v13 =	vsel vm0, s0, v10;
	vm0 =	vgt.s32 v2, v9  }
0x47: {  	p2 =	sgt.u32 s10, $0x40;
	v10 =	vsel vm0, s0, v10;
	s0 =	simm.s32 $0x0  }
0x48: {  	s0 =	simm.s32 @!p2 $0x20  }
0x49: {  	v14 =	vor.u32 $0x8, v13;
	v2 =	vmov s0;
	vm1 =	vgt.s32 v11, v17  }
0x4a: {  	vm0 =	vgt.s32 v12, v16;
	v12 =	vor.u32 $0x8, v10;
	v6 =	vsel vm1, v4, v6  }
0x4b: {  	v18 =	vor.u32 $0x10, v2;
	v5 =	vsel vm0, v5, v7;
	v7 =	vor.u32 $0x4, v6  }
0x4c: {  	v15 =	vor.u32 $0x4, v5;
	v4 =	vand.u32 $0x7F, v7  }
0x4d: {  	v11 =	vand.u32 $0x7F, v15  }
0x4e: {  	v19 =	vld.idx.msk [tilespmem:v14+s17+$0x0], $0xffff  }
0x4f: {  	v20 =	vld.idx.msk [tilespmem:v12+s17+$0x0], $0xffff  }
0x50: {  	v23 =	vld.idx.msk [tilespmem:v18+s17+$0x0], $0xffff  }
0x51: {  	v21 =	vld.idx.msk [tilespmem:v4+s17+$0x0], $0xffff  }
0x52: {  	s23 =	simm.s32 $0x160;
	v22 =	vld.idx.msk [tilespmem:v11+s17+$0x0], $0xffff  }
0x53: {  	vm0 =	vgt.s32 v19, v8;
	v11 =	vld [tilespmem:s23+$0x10]  }
0x54: {  	v13 =	vsel vm0, v13, v14;
	v4 =	vld [tilespmem:s23+$0xFFFFFFE0];
	vm0 =	vgt.s32 v20, v9  }
0x55: {  	v14 =	vor.u32 $0x4, v13;
	v10 =	vsel vm0, v10, v12  }
0x56: {  	v12 =	vand.u32 $0x7F, v14;
	v19 =	vor.u32 $0x4, v10;
	vm1 =	vgt.s32 v21, v17  }
0x57: {  	vm0 =	vgt.s32 v22, v16;
	v21 =	vand.u32 $0x7F, v19;
	v6 =	vsel vm1, v6, v7  }
0x58: {  	vm1 =	vgt.s32 v23, v11;
	v15 =	vsel vm0, v5, v15;
	v20 =	vadd.s32 $0x2, v6  }
0x59: {  	v5 =	vld [tilespmem:s23+$0xFFFFFFF0];
	vm0 =	vgt.s32 v23, v4;
	v22 =	vsel vm1, s0, v18;
	v24 =	vadd.s32 $0x2, v15  }
0x5a: {  	v7 =	vld [tilespmem:s23+$0x0];
	v25 =	vsel vm0, s0, v18;
	v26 =	vor.u32 $0x8, v22  }
0x5b: {  	v12 =	vld.idx.msk [tilespmem:v12+s17+$0x0], $0xffff;
	v27 =	vor.u32 $0x8, v25  }
0x5c: {  	v21 =	vld.idx.msk [tilespmem:v21+s17+$0x0], $0xffff  }
0x5d: {  	v28 =	vld.idx.msk [tilespmem:v20+s17+$0x0], $0xffff  }
0x5e: {  	vm0 =	vgt.s32 v23, v5;
	v29 =	vld.idx.msk [tilespmem:v24+s17+$0x0], $0xffff  }
0x5f: {  	v30 =	vsel vm0, s0, v18;
	vm0 =	vgt.s32 v23, v7;
	v23 =	vld.idx.msk [tilespmem:v26+s17+$0x0], $0xffff  }
0x60: {  	v18 =	vsel vm0, s0, v18;
	v32 =	vld.idx.msk [tilespmem:v27+s17+$0x0], $0xffff;
	vm0 =	vgt.s32 v12, v8  }
0x61: {  	v31 =	vor.u32 $0x8, v30;
	v33 =	vor.u32 $0x8, v18;
	v12 =	vsel vm0, v13, v14  }
0x62: {  	vm0 =	vgt.s32 v21, v9;
	v14 =	vadd.s32 $0x2, v12;
	vm1 =	vgt.s32 v28, v17  }
0x63: {  	v10 =	vsel vm0, v10, v19;
	vm0 =	vgt.s32 v29, v16;
	v13 =	vsel vm1, v6, v20  }
0x64: {  	v20 =	vadd.s32 $0x2, v10;
	vm1 =	vgt.s32 v23, v11;
	v19 =	vadd.s32 $0x1, v13  }
0x65: {  	v15 =	vsel vm0, v15, v24;
	vm0 =	vgt.s32 v32, v4;
	v21 =	vsel vm1, v22, v26  }
0x66: {  	p3 =	sgt.u32 s10, $0x80;
	s0 =	simm.s32 $0x0;
	v22 =	vld.idx.msk [tilespmem:v31+s17+$0x0], $0xffff;
	v23 =	vadd.s32 $0x1, v15;
	v24 =	vsel vm0, v25, v27;
	v25 =	vor.u32 $0x4, v21  }
0x67: {  	s0 =	simm.s32 @!p3 $0x20;
	v26 =	vld.idx.msk [tilespmem:v33+s17+$0x0], $0xffff;
	v28 =	vor.u32 $0x4, v24;
	v27 =	vand.u32 $0x7F, v25  }
0x68: {  	v6 =	vmov s0;
	v34 =	vld.idx.msk [tilespmem:v14+s17+$0x0], $0xffff;
	v57 =	vand.u32 $0x7F, v28  }
0x69: {  	v35 =	vor.u32 $0x10, v6;
	v29 =	vld.idx.msk [tilespmem:v19+s17+$0x0], $0xffff  }
0x6a: {  	v36 =	vld.idx.msk [tilespmem:v20+s17+$0x0], $0xffff  }
0x6b: {  	vm0 =	vgt.s32 v22, v5;
	v22 =	vld.idx.msk [tilespmem:v23+s17+$0x0], $0xffff  }
0x6c: {  	v30 =	vsel vm0, v30, v31;
	vm0 =	vgt.s32 v26, v7;
	v27 =	vld.idx.msk [tilespmem:v27+s17+$0x0], $0xffff  }
0x6d: {  	v26 =	vor.u32 $0x4, v30;
	v31 =	vld.idx.msk [tilespmem:v57+s17+$0x0], $0xffff;
	v18 =	vsel vm0, v18, v33;
	vm0 =	vgt.s32 v34, v8  }
0x6e: {  	s31 =	simm.s32 $0x1A0;
	v58 =	vor.u32 $0x4, v18;
	v59 =	vand.u32 $0x7F, v26;
	vm1 =	vgt.s32 v29, v17;
	v29 =	vld.idx.msk [tilespmem:v35+s17+$0x0], $0xffff  }
0x6f: {  	v34 =	vsel vm0, v12, v14;
	vm0 =	vgt.s32 v36, v9;
	v19 =	vsel vm1, v13, v19;
	v13 =	vld [tilespmem:s31+$0x10]  }
0x70: {  	v12 =	vld [tilespmem:s31+$0xFFFFFFE0];
	v37 =	vand.u32 $0x7F, v58;
	v60 =	vadd.s32 $0x1, v34;
	v38 =	vsel vm0, v10, v20  }
0x71: {  	v14 =	vld [tilespmem:s31+$0xFFFFFFF0];
	vm0 =	vgt.s32 v22, v16;
	v39 =	vadd.s32 $0x1, v38;
	vm1 =	vgt.s32 v27, v11  }
0x72: {  	v10 =	vld [tilespmem:s31+$0x0];
	v20 =	vsel vm0, v15, v23;
	vm0 =	vgt.s32 v31, v4;
	v22 =	vsel vm1, v21, v25  }
0x73: {  	v40 =	vsel vm0, v24, v28;
	v24 =	vld.idx.msk [tilespmem:v59+s17+$0x0], $0xffff;
	v31 =	vadd.s32 $0x2, v22  }
0x74: {  	v15 =	vsub.s32 v20, v3;
	v41 =	vadd.s32 $0x2, v40;
	v21 =	vld.idx.msk [tilespmem:v19+s17+$0x0], $0xffff;
	vm1 =	vgt.s32 v29, v13  }
0x75: {  	v15 =	vshll.u32 v15, $0xD;
	v37 =	vld.idx.msk [tilespmem:v37+s17+$0x0], $0xffff;
	vm0 =	vgt.s32 v29, v12;
	v61 =	vsel vm1, s0, v35  }
0x76: {  	v44 =	vld.idx.msk [tilespmem:v60+s17+$0x0], $0xffff;
	v42 =	vsel vm0, s0, v35;
	vm0 =	vgt.s32 v29, v14;
	v43 =	vor.u32 $0x8, v61  }
0x77: {  	v46 =	vld.idx.msk [tilespmem:v39+s17+$0x0], $0xffff;
	v45 =	vor.u32 $0x8, v42;
	v25 =	vsel vm0, s0, v35;
	vm0 =	vgt.s32 v29, v10  }
0x78: {  	p0 =	por p0, p0;
	v19 =	vsub.s32 v19, v3;
	v28 =	vor.u32 $0x8, v25;
	v23 =	vsel vm0, s0, v35;
	v29 =	vld.idx.msk [tilespmem:v31+s17+$0x0], $0xffff  }
0x79: {  	p0 =	por p0, p0;
	v19 =	vshll.u32 v19, $0xD;
	v27 =	vor.u32 $0x8, v23;
	v47 =	vld.idx.msk [tilespmem:v41+s17+$0x0], $0xffff;
	v17 =	vsub.s32 v17, v21  }
0x7a: {  	p1 =	por p0, p0;
	v62 =	vld.idx.msk [tilespmem:v20+s17+$0x0], $0xffff;
	vm0 =	vgt.s32 v24, v5;
	vm1 =	vgt.s32 v37, v7;
	v20 =	vsub.s32 $0x1FFF, v17  }
0x7b: {  	v21 =	vsel vm1, v18, v58;
	vm1 =	vgt.s32 v44, v8;
	v17 =	vpsel p1, v17, v20;
	v63 =	vld.idx.msk [tilespmem:v43+s17+$0x0], $0xffff  }
0x7c: {  	v20 =	vsel vm0, v30, v26;
	v30 =	vld.idx.msk [tilespmem:v45+s17+$0x0], $0xffff;
	v26 =	vadd.s32 $0x2, v21;
	v17 =	vadd.s32 v0, v17  }
0x7d: {  	v49 =	vld.idx.msk [tilespmem:v28+s17+$0x0], $0xffff;
	v24 =	vadd.s32 $0x2, v20;
	vm0 =	vgt.s32 v29, v11;
	v29 =	vsel vm1, v34, v60  }
0x7e: {  	vm1 =	vgt.s32 v47, v4;
	v36 =	vld.idx.msk [tilespmem:v27+s17+$0x0], $0xffff;
	v48 =	vadd.s32 v19, v17;
	v19 =	vsel vm0, v22, v31  }
0x7f: {  	vm0 =	vgt.s32 v46, v9;
	v18 =	vsel vm1, v40, v41;
	v22 =	vadd.s32 $0x1, v19  }
0x80: {  	v31 =	vsub.s32 v16, v62;
	v17 =	vsel vm0, v38, v39;
	vm0 =	vgt.s32 v63, v13  }
0x81: {  	s30 =	simm.s32 $0x2120;
	p6 =	por p2, p2;
	p0 =	por p3, p3;
	v16 =	vadd.s32 $0x1, v18;
	vm1 =	vgt.s32 v30, v12;
	v35 =	vld.idx.msk [tilespmem:v26+s17+$0x0], $0xffff;
	v32 =	vsel vm0, v61, v43  }
0x82: {  	s1 =	simm.s32 $0x8;
	p2 =	por p6, p6;
	s0 =	simm.s32 $0xC0;
	[tilespmem:s30+$0x10] =	vst v48;
	v34 =	vld.idx.msk [tilespmem:v24+s17+$0x0], $0xffff;
	v30 =	vsel vm1, v42, v45;
	vm0 =	vgt.s32 v49, v14;
	v33 =	vor.u32 $0x4, v32  }
.LBB2_2:
0x83: {  	p4 =	slt.u32 s0, s10;
	s1 =	sadd.s32 $0x4, s1;
	v37 =	vsel vm0, v25, v28;
	vm0 =	vgt.s32 v36, v10;
	v25 =	vand.u32 $0x7F, v33;
	v28 =	vld.idx.msk [tilespmem:v29+s17+$0x0], $0xffff;
	s16 =	simm.s32 $0x0  }
0x84: {  	v36 =	vor.u32 $0x4, v30;
	s16 =	simm.s32 @!p4 $0x20;
	p3 =	slt.u32 s1, $0x1FC;
	v38 =	vor.u32 $0x4, v37;
	v39 =	vsel vm0, v23, v27;
	v23 =	vld.idx.msk [tilespmem:v22+s17+$0x0], $0xffff  }
0x85: {  	v40 =	vand.u32 $0x7F, v36;
	v27 =	vmov s16;
	v41 =	vor.u32 $0x4, v39;
	v42 =	vld.idx.msk [tilespmem:v17+s17+$0x0], $0xffff  }
0x86: {  	v44 =	vand.u32 $0x7F, v38;
	v43 =	vor.u32 $0x10, v27;
	v45 =	vand.u32 $0x7F, v41;
	v46 =	vld.idx.msk [tilespmem:v16+s17+$0x0], $0xffff  }
0x87: {  	v29 =	vsub.s32 v29, v3;
	vm0 =	vgt.s32 v34, v5;
	v34 =	vsub.s32 $0x1FFF, v31  }
0x88: {  	v47 =	vsel vm0, v20, v24;
	vm0 =	vgt.s32 v35, v7;
	v20 =	vpsel p1, v31, v34;
	v25 =	vld.idx.msk [tilespmem:v25+s17+$0x0], $0xffff  }
0x89: {  	v31 =	vadd.s32 $0x1, v47;
	v34 =	vsel vm0, v21, v26;
	v21 =	vsub.s32 v8, v28;
	v8 =	vmovc v5;
	v5 =	vmovc v14  }
0x8a: {  	v35 =	vadd.s32 $0x1, v34;
	vm0 =	vgt.s32 v23, v11;
	v14 =	vsub.s32 $0x1FFF, v21;
	v24 =	vld.idx.msk [tilespmem:v40+s17+$0x0], $0xffff  }
0x8b: {  	s31 =	sadd.s32 $0x40, s31;
	v19 =	vsel vm0, v19, v22;
	v21 =	vpsel p1, v21, v14;
	v9 =	vsub.s32 v9, v42;
	v23 =	vld.idx.msk [tilespmem:v43+s17+$0x0], $0xffff  }
0x8c: {  	v17 =	vsub.s32 v17, v3;
	v3 =	vmovc v2;
	v2 =	vmovc v6;
	vm0 =	vgt.s32 v46, v4;
	v14 =	vsub.s32 $0x1FFF, v9;
	v22 =	vld [tilespmem:s31+$0x10]  }
0x8d: {  	v6 =	vmovc v27;
	v16 =	vsel vm0, v18, v16;
	v18 =	vadd.s32 v0, v20;
	v20 =	vpsel p1, v9, v14;
	p1 =	por p2, p2;
	p2 =	por p0, p0;
	p0 =	por p4, p4;
	v40 =	vld [tilespmem:s31+$0xFFFFFFE0]  }
0x8e: {  	v21 =	vadd.s32 v0, v21;
	vm0 =	vgt.s32 v25, v13;
	v25 =	vsub.s32 v16, v3;
	v9 =	vmovc v7;
	v14 =	vld [tilespmem:s31+$0xFFFFFFF0]  }
0x8f: {  	v20 =	vadd.s32 v0, v20;
	v7 =	vmovc v10;
	v32 =	vsel vm0, v32, v33;
	v26 =	vshll.u32 v25, $0xD;
	v10 =	vld [tilespmem:s31+$0x0]  }
0x90: {  	v29 =	vshll.u32 v29, $0xD;
	vm0 =	vgt.s32 v24, v12;
	v33 =	vadd.s32 $0x2, v32;
	v24 =	vld.idx.msk [tilespmem:v19+s17+$0x0], $0xffff  }
0x91: {  	v17 =	vshll.u32 v17, $0xD;
	v30 =	vsel vm0, v30, v36;
	vm1 =	vgt.s32 v23, v22;
	v36 =	vld.idx.msk [tilespmem:v44+s17+$0x0], $0xffff  }
0x92: {  	v44 =	vadd.s32 $0x2, v30;
	vm0 =	vgt.s32 v23, v40;
	v42 =	vsel vm1, s16, v43;
	v45 =	vld.idx.msk [tilespmem:v45+s17+$0x0], $0xffff  }
0x93: {  	v46 =	vsel vm0, s16, v43;
	vm0 =	vgt.s32 v23, v14;
	v48 =	vor.u32 $0x8, v42;
	v49 =	vld.idx.msk [tilespmem:v31+s17+$0x0], $0xffff  }
0x94: {  	v50 =	vor.u32 $0x8, v46;
	v25 =	vsel vm0, s16, v43;
	vm0 =	vgt.s32 v23, v10;
	v51 =	vld.idx.msk [tilespmem:v35+s17+$0x0], $0xffff  }
0x95: {  	v18 =	vadd.s32 v15, v18;
	v15 =	vmovc v26;
	v28 =	vor.u32 $0x8, v25;
	v23 =	vsel vm0, s16, v43;
	v43 =	vld.idx.msk [tilespmem:v33+s17+$0x0], $0xffff  }
0x96: {  	v11 =	vsub.s32 v11, v24;
	v27 =	vor.u32 $0x8, v23;
	v16 =	vld.idx.msk [tilespmem:v16+s17+$0x0], $0xffff;
	[tilespmem:s30+$0xFFFFFFE0] =	vst v18;
	v18 =	vadd.s32 v29, v21  }
0x97: {  	v17 =	vadd.s32 v17, v20;
	vm0 =	vgt.s32 v36, v5;
	v21 =	vsub.s32 $0x1FFF, v11;
	v52 =	vld.idx.msk [tilespmem:v44+s17+$0x0], $0xffff;
	[tilespmem:s30+$0xFFFFFFF0] =	vst v18  }
0x98: {  	v19 =	vsub.s32 v19, v3;
	vm1 =	vgt.s32 v45, v7;
	v29 =	vpsel p1, v11, v21;
	v18 =	vld.idx.msk [tilespmem:v48+s17+$0x0], $0xffff  }
0x99: {  	v19 =	vshll.u32 v19, $0xD;
	v20 =	vsel vm0, v37, v38;
	v26 =	vadd.s32 v0, v29;
	v45 =	vld.idx.msk [tilespmem:v50+s17+$0x0], $0xffff;
	[tilespmem:s30+$0x0] =	vst v17  }
0x9a: {  	v24 =	vadd.s32 $0x2, v20;
	v21 =	vsel vm1, v39, v41;
	v11 =	vmovc v13;
	v17 =	vadd.s32 v19, v26;
	s30 =	sadd.s32 $0x40, s30;
	v37 =	vld.idx.msk [tilespmem:v28+s17+$0x0], $0xffff  }
0x9b: {  	vm1 =	vgt.s32 v49, v8;
	v26 =	vadd.s32 $0x2, v21;
	vm0 =	vgt.s32 v43, v11;
	v36 =	vld.idx.msk [tilespmem:v27+s17+$0x0], $0xffff;
	[tilespmem:s30+$0x10] =	vst v17  }
.Ltmp0:
0x9c: {  	v13 =	vmovc v22;
	v29 =	vsel vm1, v47, v31;
	v19 =	vsel vm0, v32, v33;
	vm0 =	vgt.s32 v51, v9;
	(pc) =	sbr.rel @p3 .LBB2_2-.Ltmp0, $4  }
0x9d: {  	vm1 =	vgt.s32 v52, v12;
	v22 =	vadd.s32 $0x1, v19;
	v17 =	vsel vm0, v34, v35  }
0x9e: {  	v31 =	vsub.s32 v4, v16;
	v4 =	vmovc v12;
	vm0 =	vgt.s32 v18, v13;
	v18 =	vsel vm1, v30, v44  }
0x9f: {  	v12 =	vmovc v40;
	vm1 =	vgt.s32 v45, v40;
	v32 =	vsel vm0, v42, v48;
	v16 =	vadd.s32 $0x1, v18;
	v34 =	vld.idx.msk [tilespmem:v24+s17+$0x0], $0xffff  }
0xa0: {  	s0 =	sadd.s32 $0x40, s0;
	v30 =	vsel vm1, v46, v50;
	vm0 =	vgt.s32 v37, v14;
	v33 =	vor.u32 $0x4, v32;
	v35 =	vld.idx.msk [tilespmem:v26+s17+$0x0], $0xffff  }
0xa1: {  	v37 =	vand.u32 $0x7F, v33;
	_ =	sdelay $0x1  }
0xa2: {  	v25 =	vsel vm0, v25, v28;
	vm10 =	vgt.s32 v36, v10;
	v62 =	vor.u32 $0x4, v30  }
0xa3: {  	v63 =	vor.u32 $0x4, v25;
	v23 =	vsel vm10, v23, v27;
	v44 =	vand.u32 $0x7F, v62  }
0xa4: {  	v38 =	vor.u32 $0x4, v23;
	v39 =	vand.u32 $0x7F, v63  }
0xa5: {  	v40 =	vand.u32 $0x7F, v38;
	v37 =	vld.idx.msk [tilespmem:v37+s17+$0x0], $0xffff;
	_ =	sdelay $0x2  }
0xa6: {  	v27 =	vld.idx.msk [tilespmem:v44+s17+$0x0], $0xffff  }
0xa7: {  	v39 =	vld.idx.msk [tilespmem:v39+s17+$0x0], $0xffff  }
0xa8: {  	v45 =	vld.idx.msk [tilespmem:v40+s17+$0x0], $0xffff;
	vm11 =	vgt.s32 v37, v13  }
0xa9: {  	v32 =	vsel vm11, v32, v33  }
0xaa: {  	v33 =	vadd.s32 $0x2, v32  }
0xab: {  	vm12 =	vgt.s32 v27, v12  }
0xac: {  	v27 =	vsel vm12, v30, v62;
	vm13 =	vgt.s32 v39, v14  }
0xad: {  	v46 =	vld.idx.msk [tilespmem:v29+s17+$0x0], $0xffff;
	v30 =	vadd.s32 $0x2, v27;
	vm1 =	vgt.s32 v45, v10;
	v25 =	vsel vm13, v25, v63  }
0xae: {  	v47 =	vld.idx.msk [tilespmem:v22+s17+$0x0], $0xffff;
	v48 =	vadd.s32 $0x2, v25;
	v23 =	vsel vm1, v23, v38  }
0xaf: {  	vm14 =	vgt.s32 v34, v5;
	v38 =	vadd.s32 $0x2, v23;
	v49 =	vld.idx.msk [tilespmem:v33+s17+$0x0], $0xffff  }
0xb0: {  	v50 =	vld.idx.msk [tilespmem:v17+s17+$0x0], $0xffff;
	v20 =	vsel vm14, v20, v24;
	vm15 =	vgt.s32 v35, v7  }
0xb1: {  	v51 =	vld.idx.msk [tilespmem:v16+s17+$0x0], $0xffff;
	v52 =	vadd.s32 $0x1, v20;
	v21 =	vsel vm15, v21, v26  }
0xb2: {  	v41 =	vsub.s32 $0x1FFF, v31;
	v54 =	vsub.s32 v29, v3;
	v26 =	vadd.s32 $0x1, v21;
	v53 =	vld.idx.msk [tilespmem:v30+s17+$0x0], $0xffff  }
0xb3: {  	v3 =	vsub.s32 v17, v3;
	v31 =	vpsel p1, v31, v41;
	v29 =	vshll.u32 v54, $0xD;
	v42 =	vld.idx.msk [tilespmem:v48+s17+$0x0], $0xffff  }
0xb4: {  	v3 =	vshll.u32 v3, $0xD;
	vm4 =	vgt.s32 v47, v11;
	v55 =	vld.idx.msk [tilespmem:v38+s17+$0x0], $0xffff;
	vm5 =	vgt.s32 v49, v13  }
0xb5: {  	v31 =	vadd.s32 v0, v31;
	v19 =	vsel vm4, v19, v22;
	v57 =	vsel vm5, v32, v33  }
0xb6: {  	v15 =	vadd.s32 v15, v31;
	vm6 =	vgt.s32 v51, v4;
	v58 =	vld.idx.msk [tilespmem:v52+s17+$0x0], $0xffff;
	v33 =	vadd.s32 $0x1, v57  }
0xb7: {  	v8 =	vsub.s32 v8, v46;
	v60 =	vsel vm6, v18, v16;
	v59 =	vld.idx.msk [tilespmem:v26+s17+$0x0], $0xffff;
	vm7 =	vgt.s32 v53, v12  }
0xb8: {  	v9 =	vsub.s32 v9, v50;
	v61 =	vsel vm7, v27, v30;
	vm8 =	vgt.s32 v42, v14  }
0xb9: {  	v27 =	vadd.s32 $0x1, v61;
	v25 =	vsel vm8, v25, v48;
	vm9 =	vgt.s32 v55, v10  }
0xba: {  	v56 =	vsub.s32 $0x1FFF, v8;
	v62 =	vld.idx.msk [tilespmem:v19+s17+$0x0], $0xffff;
	v63 =	vadd.s32 $0x1, v25;
	v23 =	vsel vm9, v23, v38  }
0xbb: {  	v36 =	vsub.s32 $0x1FFF, v9;
	vm10 =	vgt.s32 v58, v5;
	v38 =	vadd.s32 $0x1, v23;
	v37 =	vld.idx.msk [tilespmem:v33+s17+$0x0], $0xffff  }
0xbc: {  	v8 =	vpsel p1, v8, v56;
	v16 =	vld.idx.msk [tilespmem:v60+s17+$0x0], $0xffff;
	v20 =	vsel vm10, v20, v52;
	vm11 =	vgt.s32 v59, v7  }
0xbd: {  	v9 =	vpsel p1, v9, v36;
	v8 =	vadd.s32 v0, v8;
	v21 =	vsel vm11, v21, v26  }
0xbe: {  	v9 =	vadd.s32 v0, v9;
	v8 =	vadd.s32 v29, v8;
	v39 =	vsub.s32 v60, v2;
	v40 =	vld.idx.msk [tilespmem:v27+s17+$0x0], $0xffff  }
0xbf: {  	v3 =	vadd.s32 v3, v9;
	v19 =	vsub.s32 v19, v2;
	v24 =	vshll.u32 v39, $0xD;
	v41 =	vld.idx.msk [tilespmem:v63+s17+$0x0], $0xffff  }
0xc0: {  	v19 =	vshll.u32 v19, $0xD;
	v11 =	vsub.s32 v11, v62;
	v43 =	vld.idx.msk [tilespmem:v38+s17+$0x0], $0xffff;
	vm12 =	vgt.s32 v37, v13  }
0xc1: {  	p6 =	por p2, p2;
	v4 =	vsub.s32 v4, v16;
	v44 =	vld.idx.msk [tilespmem:v20+s17+$0x0], $0xffff;
	v42 =	vsub.s32 $0x1FFF, v11;
	v22 =	vsel vm12, v57, v33  }
0xc2: {  	v16 =	vsub.s32 $0x1FFF, v4;
	v46 =	vsub.s32 v20, v2;
	v45 =	vld.idx.msk [tilespmem:v21+s17+$0x0], $0xffff;
	v11 =	vpsel p6, v11, v42  }
0xc3: {  	v4 =	vpsel p6, v4, v16;
	v11 =	vadd.s32 v0, v11;
	vm13 =	vgt.s32 v40, v12  }
0xc4: {  	v9 =	vadd.s32 v19, v11;
	v11 =	vsel vm13, v61, v27;
	vm14 =	vgt.s32 v41, v14  }
0xc5: {  	v2 =	vsub.s32 v21, v2;
	v17 =	vsel vm14, v25, v63;
	vm15 =	vgt.s32 v43, v10  }
0xc6: {  	v18 =	vshll.u32 v46, $0xD;
	v5 =	vsub.s32 v5, v44;
	v48 =	vsel vm15, v23, v38;
	v47 =	vld.idx.msk [tilespmem:v22+s17+$0x0], $0xffff  }
0xc7: {  	[tilespmem:s30+$0xFFFFFFF0] =	vst v8;
	v4 =	vadd.s32 v0, v4;
	v49 =	vsub.s32 $0x1FFF, v5;
	v7 =	vsub.s32 v7, v45  }
0xc8: {  	[tilespmem:s30+$0x0] =	vst v3;
	v2 =	vshll.u32 v2, $0xD;
	v5 =	vpsel p6, v5, v49;
	v50 =	vsub.s32 $0x1FFF, v7  }
0xc9: {  	v7 =	vpsel p6, v7, v50;
	v5 =	vadd.s32 v0, v5;
	v51 =	vsub.s32 v11, v6;
	v11 =	vld.idx.msk [tilespmem:v11+s17+$0x0], $0xffff  }
0xca: {  	v4 =	vadd.s32 v24, v4;
	v7 =	vadd.s32 v0, v7;
	v5 =	vadd.s32 v18, v5;
	v52 =	vld.idx.msk [tilespmem:v17+s17+$0x0], $0xffff  }
0xcb: {  	p0 =	por p0, p0;
	s0 =	sadd.s32 $0x40, s30;
	v2 =	vadd.s32 v2, v7;
	v7 =	vsub.s32 v22, v6;
	v54 =	vld.idx.msk [tilespmem:v48+s17+$0x0], $0xffff;
	v53 =	vsub.s32 v13, v47  }
0xcc: {  	p0 =	por p0, p0;
	[tilespmem:s0+$0xFFFFFFE0] =	vst v4;
	v3 =	vshll.u32 v7, $0xD;
	v16 =	vshll.u32 v51, $0xD;
	v55 =	vsub.s32 $0x1FFF, v53  }
0xcd: {  	[tilespmem:s0+$0x0] =	vst v2;
	v4 =	vsub.s32 v17, v6;
	v2 =	vsub.s32 v48, v6;
	v8 =	vpsel p0, v53, v55  }
0xce: {  	v4 =	vshll.u32 v4, $0xD;
	v7 =	vadd.s32 v0, v8;
	v8 =	vsub.s32 v12, v11  }
0xcf: {  	[tilespmem:s0+$0x10] =	vst v9;
	v9 =	vsub.s32 v14, v52;
	v3 =	vadd.s32 v3, v7;
	v7 =	vsub.s32 $0x1FFF, v8  }
0xd0: {  	[tilespmem:s0+$0xFFFFFFF0] =	vst v5;
	v11 =	vsub.s32 $0x1FFF, v9;
	v10 =	vsub.s32 v10, v54;
	v5 =	vpsel p0, v8, v7  }
0xd1: {  	[tilespmem:s30+$0xFFFFFFE0] =	vst v15;
	s0 =	sadd.s32 $0x40, s0;
	v7 =	vpsel p0, v9, v11;
	v8 =	vsub.s32 $0x1FFF, v10;
	v5 =	vadd.s32 v0, v5  }
0xd2: {  	[tilespmem:s0+$0x10] =	vst v3;
	v6 =	vpsel p0, v10, v8;
	v3 =	vadd.s32 v0, v7;
	v5 =	vadd.s32 v16, v5  }
0xd3: {  	v2 =	vshll.u32 v2, $0xD;
	v6 =	vadd.s32 v0, v6;
	v3 =	vadd.s32 v4, v3;
	[tilespmem:s0+$0xFFFFFFE0] =	vst v5  }
0xd4: {  	[tilespmem:s0+$0xFFFFFFF0] =	vst v3;
	v2 =	vadd.s32 v2, v6  }
0xd5: {  	s21 =	simm.s32 $0x2000;
	s1 =	simm.s32 $0x2100;
	[tilespmem:s0+$0x0] =	vst v2  }
0xd6: {  	[tilespmem:s24], [sflag:$0x1] =	stream.indirect.gather [hbm4b:s3+s21], $0x1, s1, s21, $0xb8;
	[tilespmem:$0x12100] =	vst v63  }
0xd7: {  	_ =	swait.ge [sflag:s4], $0x2000  }
0xd8: {  	[sflag:s4] =	ssyncset.done $0x0  }
0xd9: {  	s22 =	simm.s32 $0x4120;
	[sflag:s4] =	ssyncadd.s32 $0xFFFFE000  }
0xda: {  	v2 =	vld [tilespmem:s22+$0x10]  }
0xdb: {  	v3 =	vld [tilespmem:s22+$0xFFFFFFF0]  }
0xdc: {  	v4 =	vld [tilespmem:s22+$0x0]  }
0xdd: {  	s1 =	simm.s32 $0x8120;
	v7 =	vld [tilespmem:s22+$0xFFFFFFE0]  }
0xde: {  	s30 =	simm.s32 $0x6120;
	v5 =	vld [tilespmem:s1+$0x10]  }
0xdf: {  	v6 =	vld [tilespmem:s30+$0x10];
	v8 =	vand.u32 $0x1FF, v2  }
0xe0: {  	v10 =	vshrl.u32 v3, $0x9;
	v2 =	vshrl.u32 v2, $0x9;
	v3 =	vand.u32 $0x1FF, v3  }
0xe1: {  	v9 =	vld [tilespmem:s1+$0xFFFFFFE0];
	v56 =	vshrl.u32 v4, $0x9;
	v4 =	vand.u32 $0x1FF, v4;
	v8 =	vcvt.s32.f32 v8  }
0xe2: {  	v11 =	vld [tilespmem:s30+$0xFFFFFFE0];
	v58 =	vshrl.u32 v7, $0x9;
	v7 =	vand.u32 $0x1FF, v7;
	v2 =	vcvt.s32.f32 v2  }
0xe3: {  	s23 =	simm.s32 $0x30;
	v59 =	vld [tilespmem:s1+$0x0];
	v10 =	vcvt.s32.f32 v10;
	v3 =	vcvt.s32.f32 v3;
	v5 =	vadd.f32 v8, v5  }
0xe4: {  	v57 =	vld [tilespmem:s1+$0xFFFFFFF0];
	v14 =	vcvt.s32.f32 v58;
	v2 =	vadd.f32 v2, v6;
	v6 =	vmov s23  }
0xe5: {  	v7 =	vcvt.s32.f32 v7;
	v8 =	vld [tilespmem:s30+$0xFFFFFFF0];
	v6 =	vshll.u32 v6, $0x1;
	v5 =	vmul.f32 $3.906250000e-03, v5  }
0xe6: {  	v60 =	vld [tilespmem:s30+$0x0];
	v63 =	vcvt.s32.f32 v4;
	v2 =	vmul.f32 $3.906250000e-03, v2;
	v6 =	vor.u32 v1, v6  }
0xe7: {  	v7 =	vadd.f32 v7, v9;
	v61 =	vor.u32 $0x1, v6;
	v5 =	vadd.f32 $-1.000000000e+00, v5  }
0xe8: {  	s31 =	simm.s32 $0xA120;
	s16 =	simm.s32 $0x10;
	v12 =	vcvt.s32.f32 v56;
	v13 =	vadd.f32 v63, v59;
	v62 =	vadd.f32 $-1.000000000e+00, v2  }
0xe9: {  	s0 =	simm.s32 $0xC120;
	v4 =	vmov s16;
	s16 =	simm.s32 $0x0;
	v2 =	vadd.f32 v14, v11;
	v11 =	vadd.f32 v3, v57;
	[tilespmem:s31+$0x10] =	vst v5  }
0xea: {  	v9 =	vadd.f32 v10, v8;
	v8 =	vmul.f32 $3.906250000e-03, v7;
	v10 =	vmov s16;
	[tilespmem:s0+$0x10] =	vst v62  }
0xeb: {  	s19 =	simm.s32 $0x20;
	v3 =	vmul.f32 $3.906250000e-03, v2;
	v2 =	vadd.f32 v12, v60;
	v7 =	vmul.f32 $3.906250000e-03, v11;
	[tilespmem:v6+s25+$0x0] =	vst.idx.msk $0xffff, v5  }
0xec: {  	s20 =	simm.s32 $0x4160;
	v9 =	vmul.f32 $3.906250000e-03, v9;
	v6 =	vmov s19;
	s19 =	simm.s32 $0x0;
	v5 =	vmul.f32 $3.906250000e-03, v13;
	[tilespmem:v61+s25+$0x0] =	vst.idx.msk $0xffff, v62  }
.LBB2_4:
0xed: {  	v11 =	vld [tilespmem:s20+$0x10];
	v4 =	vshll.u32 v4, $0x1;
	v2 =	vmul.f32 $3.906250000e-03, v2;
	v6 =	vshll.u32 v6, $0x1  }
0xee: {  	v8 =	vadd.f32 $-1.000000000e+00, v8;
	v3 =	vadd.f32 $-1.000000000e+00, v3;
	v10 =	vshll.u32 v10, $0x1;
	v12 =	vld [tilespmem:s20+$0xFFFFFFF0]  }
0xef: {  	v7 =	vadd.f32 $-1.000000000e+00, v7;
	s1 =	sadd.s32 $0x40, s1;
	v9 =	vadd.f32 $-1.000000000e+00, v9;
	v4 =	vor.u32 v1, v4;
	v13 =	vld [tilespmem:s20+$0x0]  }
0xf0: {  	s19 =	sadd.s32 $0x4, s19;
	s30 =	sadd.s32 $0x40, s30;
	v5 =	vadd.f32 $-1.000000000e+00, v5;
	v15 =	vadd.f32 $-1.000000000e+00, v2;
	v2 =	vor.u32 v1, v6;
	v14 =	vld [tilespmem:s1+$0x10];
	[tilespmem:s31+$0xFFFFFFE0] =	vst v8  }
0xf1: {  	p0 =	slt.u32 s19, $0x1FC;
	v10 =	vor.u32 v1, v10;
	v16 =	vor.u32 $0x1, v4;
	v17 =	vor.u32 $0x1, v2;
	v6 =	vld [tilespmem:s30+$0x10];
	[tilespmem:s0+$0xFFFFFFE0] =	vst v3  }
0xf2: {  	v20 =	vor.u32 $0x1, v10;
	v18 =	vld [tilespmem:s20+$0xFFFFFFE0];
	v19 =	vand.u32 $0x1FF, v11;
	[tilespmem:s31+$0xFFFFFFF0] =	vst v7  }
0xf3: {  	v11 =	vshrl.u32 v11, $0x9;
	v21 =	vld [tilespmem:s1+$0xFFFFFFE0];
	v22 =	vshrl.u32 v12, $0x9;
	v19 =	vcvt.s32.f32 v19;
	[tilespmem:s0+$0xFFFFFFF0] =	vst v9  }
0xf4: {  	s16 =	sadd.s32 $0x40, s16;
	v12 =	vand.u32 $0x1FF, v12;
	v11 =	vcvt.s32.f32 v11;
	v23 =	vld [tilespmem:s30+$0xFFFFFFE0];
	v24 =	vshrl.u32 v13, $0x9;
	[tilespmem:v4+s25+$0x0] =	vst.idx.msk $0xffff, v7  }
0xf5: {  	s21 =	sadd.s32 $0x10, s16;
	s22 =	sadd.s32 $0x20, s16;
	s23 =	sadd.s32 $0x30, s16;
	v4 =	vcvt.s32.f32 v22;
	v13 =	vand.u32 $0x1FF, v13;
	v7 =	vld [tilespmem:s1+$0xFFFFFFF0];
	v14 =	vadd.f32 v19, v14;
	[tilespmem:s31+$0x0] =	vst v5  }
0xf6: {  	v12 =	vcvt.s32.f32 v12;
	v19 =	vld [tilespmem:s30+$0xFFFFFFF0];
	v6 =	vadd.f32 v11, v6;
	v11 =	vmov s23;
	[tilespmem:v10+s25+$0x0] =	vst.idx.msk $0xffff, v8  }
0xf7: {  	v8 =	vshrl.u32 v18, $0x9;
	v10 =	vld [tilespmem:s1+$0x0];
	v14 =	vmul.f32 $3.906250000e-03, v14;
	v11 =	vshll.u32 v11, $0x1;
	[tilespmem:v20+s25+$0x0] =	vst.idx.msk $0xffff, v3  }
0xf8: {  	v3 =	vand.u32 $0x1FF, v18;
	v18 =	vld [tilespmem:s30+$0x0];
	v6 =	vmul.f32 $3.906250000e-03, v6;
	v11 =	vor.u32 v1, v11;
	[tilespmem:v16+s25+$0x0] =	vst.idx.msk $0xffff, v9  }
0xf9: {  	v8 =	vcvt.s32.f32 v8;
	v9 =	vadd.f32 $-1.000000000e+00, v14;
	v14 =	vor.u32 $0x1, v11;
	[tilespmem:s0+$0x0] =	vst v15  }
0xfa: {  	s31 =	sadd.s32 $0x40, s31;
	v3 =	vcvt.s32.f32 v3;
	v16 =	vcvt.s32.f32 v24;
	v20 =	vadd.f32 $-1.000000000e+00, v6;
	[tilespmem:v2+s25+$0x0] =	vst.idx.msk $0xffff, v5  }
.Ltmp1:
0xfb: {  	s0 =	sadd.s32 $0x40, s0;
	v2 =	vadd.f32 v8, v23;
	v5 =	vadd.f32 v12, v7;
	v6 =	vcvt.s32.f32 v13;
	[tilespmem:s31+$0x10] =	vst v9;
	(pc) =	sbr.rel @p0 .LBB2_4-.Ltmp1, $4  }
0xfc: {  	v7 =	vadd.f32 v3, v21;
	v12 =	vadd.f32 v4, v19;
	v4 =	vmov s21;
	[tilespmem:s0+$0x10] =	vst v20  }
0xfd: {  	v3 =	vmul.f32 $3.906250000e-03, v2;
	v13 =	vadd.f32 v6, v10;
	v2 =	vadd.f32 v16, v18;
	[tilespmem:v11+s25+$0x0] =	vst.idx.msk $0xffff, v9  }
0xfe: {  	v8 =	vmul.f32 $3.906250000e-03, v7;
	v7 =	vmul.f32 $3.906250000e-03, v5;
	v6 =	vmov s22;
	[tilespmem:v14+s25+$0x0] =	vst.idx.msk $0xffff, v20  }
0xff: {  	s20 =	sadd.s32 $0x40, s20;
	v10 =	vmov s16;
	v9 =	vmul.f32 $3.906250000e-03, v12;
	v5 =	vmul.f32 $3.906250000e-03, v13;
	[tilespmem:v17+s25+$0x0] =	vst.idx.msk $0xffff, v15  }
0x100: {  	v8 =	vadd.f32 $-1.000000000e+00, v8  }
0x101: {  	v7 =	vadd.f32 $-1.000000000e+00, v7  }
0x102: {  	v4 =	vshll.u32 v4, $0x1;
	v3 =	vadd.f32 $-1.000000000e+00, v3;
	v10 =	vshll.u32 v10, $0x1;
	[tilespmem:s31+$0xFFFFFFE0] =	vst v8  }
0x103: {  	v2 =	vmul.f32 $3.906250000e-03, v2;
	v4 =	vor.u32 v1, v4;
	v9 =	vadd.f32 $-1.000000000e+00, v9;
	[tilespmem:s31+$0xFFFFFFF0] =	vst v7  }
0x104: {  	v6 =	vshll.u32 v6, $0x1;
	v10 =	vor.u32 v1, v10;
	v5 =	vadd.f32 $-1.000000000e+00, v5;
	[tilespmem:s0+$0xFFFFFFE0] =	vst v3  }
0x105: {  	v63 =	vor.u32 v1, v6;
	v2 =	vadd.f32 $-1.000000000e+00, v2;
	[tilespmem:s0+$0xFFFFFFF0] =	vst v9  }
0x106: {  	v11 =	vor.u32 $0x1, v10;
	[tilespmem:s31+$0x0] =	vst v5  }
0x107: {  	v12 =	vor.u32 $0x1, v4;
	[tilespmem:s0+$0x0] =	vst v2  }
0x108: {  	v6 =	vor.u32 $0x1, v63;
	[tilespmem:v4+s25+$0x0] =	vst.idx.msk $0xffff, v7  }
0x109: {  	[tilespmem:v10+s25+$0x0] =	vst.idx.msk $0xffff, v8  }
0x10a: {  	[tilespmem:v63+s25+$0x0] =	vst.idx.msk $0xffff, v5  }
0x10b: {  	[tilespmem:v11+s25+$0x0] =	vst.idx.msk $0xffff, v3  }
0x10c: {  	[tilespmem:v12+s25+$0x0] =	vst.idx.msk $0xffff, v9  }
0x10d: {  	[tilespmem:v6+s25+$0x0] =	vst.idx.msk $0xffff, v2  }
0x10e: {  	[hbm4b:s11+s17] =	stream.strided.scatter [tilespmem:s25], [sflag:$0x2], $0x4000, s18, s17, $0x38;
	[tilespmem:$0x12100] =	vst v63  }
0x10f: {  	_ =	swait.ge [sflag:s15], $0x4000  }
0x110: {  	[sflag:s15] =	ssyncset.done $0x0  }
0x111: {  	[sflag:s15] =	ssyncadd.s32 $0xFFFFC000  }
0x112: {  	[hbm4b:s12+s17] =	stream.strided.scatter [tilespmem:s26], [sflag:$0x2], $0x2000, s18, s17, $0x38;
	[tilespmem:$0x12100] =	vst v63  }
0x113: {  	s29 =	sadd.s32 $0x1, s29;
	_ =	swait.ge [sflag:s15], $0x2000  }
0x114: {  	p0 =	sne.s32 s29, s14;
	[sflag:s15] =	ssyncset.done $0x0  }
.Ltmp2:
0x115: {  	[sflag:s15] =	ssyncadd.s32 $0xFFFFE000;
	(pc) =	sbr.rel @p0 .LBB2_1-.Ltmp2, $4  }
0x116: {  	[hbm4b:s13+s17] =	stream.strided.scatter [tilespmem:s28], [sflag:$0x2], $0x2000, s18, s17, $0x38;
	[tilespmem:$0x12100] =	vst v63  }
0x117: {  	_ =	swait.ge [sflag:s15], $0x2000  }
0x118: {  	[sflag:s15] =	ssyncset.done $0x0  }
0x119: {  	[sflag:s15] =	ssyncadd.s32 $0xFFFFE000  }
0x11a: {  	_ =	sfence.sel $0x180000  }
0x11b: {  	[bflag:$0x0] =	sbarrier.arrive $0xFFFF  }
0x11c: {  	_ =	strace $0x9000004A  }
0x11d: {  	s0 =	stileid.u32;
	[bflag:$0x2] =	sbarrier.arrive $0xFFFF  }
0x11e: {  	p0 =	sne.s32 s0, $0x0;
	s0 =	rddreg [dreg:$0x5]  }
0x11f: {  	s0 =	sadd.s32 @!p0 $0x100000, s0  }
0x120: {  	[sflag:s0] =	ssyncadd.tile.s32 @!p0 $0x1;
	_ =	shalt  }
.Lfunc_end2:
_tile_overlayer_lowered:
.L_overlay_start_2:
0x121: {  	(tag) =	ssettag $0x2  }
0x122: {  	s0 =	rddreg [dreg:$0x0];
	s2 =	stileid.u32  }
0x123: {  	s1 =	rddreg [dreg:$0x1];
	p0 =	sne.s32 s2, $0x0  }
0x124: {  	s3 =	rddreg [dreg:$0x2];
	[bflag:$0x3] =	sbarrier.arrive $0xFFFF;
	s2 =	simm.s32 @!p0 $0x1C02  }
0x125: {  	[timem:s3], [sflag:s2] =	dma.local @!p0 [hbm:s0], s1  }
0x126: {  	s0 =	simm.s32 @!p0 $0x2  }
0x127: {  	_ =	swait.ge @!p0 [sflag:s0], s1  }
0x128: {  	s1 =	ssub.s32 @!p0 $0x0, s1;
	[sflag:s0] =	ssyncset.done @!p0 $0x0  }
0x129: {  	[sflag:s0] =	ssyncadd.s32 @!p0 s1  }
0x12a: {  	[bflag:$0x3] =	sbarrier.arrive $0xFFFF  }
0x12b: {  	_ =	shalt  }

</sc_bundles>
